<compile_context>
chip_gen: v7x
topology: tpu7x:2x2x1
jax: 0.10.2.dev20260603
libtpu: 0.0.44.dev20260713+nightly
codegen_flags: <defaults>
</compile_context>

<pallas_src>
import functools

import jax
import jax.numpy as jnp
from jax import lax
from jax.experimental import pallas as pl
from jax.experimental.pallas import tpu as pltpu
from jax.experimental.pallas import tpu_sc as plsc

_VOCAB = 100000
_MAXLEN = 200
_EMBED = 64
_BATCH = 1024
_NC = 2
_NS = 16
_NW = _NC * _NS
_CHUNK = 128
_NBB = _BATCH // _CHUNK
_NTC = _MAXLEN * _NBB
_NCHUNK = _NTC // _NW
_NBUF = 5
_LEAD = 3
_LANES = 16
_EV = _EMBED // 8
_TILE = 8 * _CHUNK
_COLW = _EMBED * _CHUNK
_LSTR = _EMBED * _BATCH
_OUTW = _MAXLEN * _LSTR
_PADW = _EMBED + 1
_XTL = _MAXLEN // 8


def _build():
    mesh = plsc.VectorSubcoreMesh(core_axis_name="c", subcore_axis_name="s")

    @functools.partial(
        pl.kernel,
        mesh=mesh,
        out_type=jax.ShapeDtypeStruct((_OUTW,), jnp.float32),
        scratch_types=[
            pltpu.VMEM((2, _NBB, 8, _CHUNK), jnp.int32),
            pltpu.VMEM((_NBUF, _CHUNK, _EMBED), jnp.float32),
            pltpu.VMEM((_CHUNK * _PADW,), jnp.float32),
            pltpu.VMEM((_NBUF, _COLW), jnp.float32),
            pltpu.VMEM((8, _EMBED), jnp.float32),
            pltpu.SemaphoreType.DMA((_NBUF,)),
            pltpu.SemaphoreType.DMA((_NBUF,)),
        ],
        compiler_params=pltpu.CompilerParams(
            use_tc_tiling_on_sc=False, needs_layout_passes=False
        ),
    )
    def k(xq_hbm, tok_hbm, posd_hbm, out_hbm,
          idx_v, rows_v, pad_v, st_v, posv, gsem, ssem):
        wid = lax.axis_index("s") * _NC + lax.axis_index("c")
        g0 = wid * _NCHUNK
        l0 = g0 // _NBB
        tl0 = jnp.minimum(l0 // 8, _XTL - 2)
        pltpu.sync_copy(xq_hbm.at[pl.ds(tl0, 2)], idx_v)
        pltpu.sync_copy(posd_hbm.at[pl.ds(l0, 8)], posv)

        iota = lax.iota(jnp.int32, _LANES)
        riota = [(iota + g * _LANES) * _PADW for g in range(_CHUNK // _LANES)]

        def start_gather(cc, b):
            g_tc = g0 + cc
            l = g_tc // _NBB
            tb = lax.rem(g_tc, _NBB)
            pltpu.async_copy(
                tok_hbm.at[idx_v.at[l // 8 - tl0, tb, lax.rem(l, 8)]],
                rows_v.at[b],
                gsem.at[b],
            )

        def wait_gather(b):
            pltpu.make_async_copy(
                out_hbm.at[pl.ds(0, _COLW)], rows_v.at[b], gsem.at[b]
            ).wait()

        def wait_store(b):
            pltpu.make_async_copy(
                st_v.at[b], out_hbm.at[pl.ds(0, _COLW)], ssem.at[b]
            ).wait()

        def compute(cc, b):
            l = (g0 + cc) // _NBB
            dl = l - l0
            pv = [posv[dl, pl.ds(t * _LANES, _LANES)]
                  for t in range(_EMBED // _LANES)]

            def j_body(j, c2):
                jb = j * _PADW
                vals = [
                    rows_v[b, j, pl.ds(t * _LANES, _LANES)] + pv[t]
                    for t in range(_EMBED // _LANES)
                ]
                for t in range(_EMBED // _LANES):
                    pad_v[pl.ds(jb + t * _LANES, _LANES)] = vals[t]
                return c2

            lax.fori_loop(0, _CHUNK, j_body, 0, unroll=8)

            def e_body(e, c2):
                ecol = jnp.full((_LANES,), e, jnp.int32)
                ebase = e * _CHUNK
                vs = [
                    plsc.load_gather(pad_v, [riota[g] + ecol])
                    for g in range(_CHUNK // _LANES)
                ]
                for g in range(_CHUNK // _LANES):
                    st_v[b, pl.ds(ebase + g * _LANES, _LANES)] = vs[g]
                return c2

            lax.fori_loop(0, _EMBED, e_body, 0, unroll=2)

        def start_store(cc, b):
            g_tc = g0 + cc
            l = g_tc // _NBB
            tb = lax.rem(g_tc, _NBB)
            cbase = l * _LSTR + tb * _TILE
            for te in range(_EV):
                pltpu.async_copy(
                    st_v.at[b, pl.ds(te * _TILE, _TILE)],
                    out_hbm.at[pl.ds(cbase + te * _NBB * _TILE, _TILE)],
                    ssem.at[b],
                )

        for b in range(_LEAD):
            start_gather(b, b)

        def body(cc, c):
            b = lax.rem(cc, _NBUF)
            nxt = cc + _LEAD
            bk = lax.rem(nxt, _NBUF)

            @pl.when(nxt < _NCHUNK)
            def _():
                @pl.when(nxt >= _NBUF)
                def _():
                    wait_store(bk)

                start_gather(nxt, bk)

            wait_gather(b)
            compute(cc, b)
            start_store(cc, b)
            return c

        lax.fori_loop(0, _NCHUNK, body, 0)
        for b in range(_NBUF):
            wait_store(b)

    return k


_k = _build()


def kernel(x, token_table, pos_table):
    xq = (
        x.astype(jnp.int32)
        .T.reshape(_XTL, 8, _NBB, _CHUNK)
        .transpose(0, 2, 1, 3)
    )
    posd = jnp.concatenate(
        [pos_table, jnp.zeros((8, _EMBED), jnp.float32)], axis=0
    )
    out1d = _k(xq, token_table, posd)
    out = (
        out1d.reshape(_MAXLEN, _EV, _NBB, 8, _CHUNK)
        .transpose(2, 4, 0, 1, 3)
        .reshape(_BATCH, _MAXLEN, _EMBED)
    )
    return out

# --- scband reference (transcript-rebuilt; emitter-appended) ---
"""Pipeline reference for scband-token-and-position-embedding-63144609185948 (READ-ONLY COPY).

The authoritative reference and input builder live on the scoring server;
editing this copy changes nothing except your own understanding.
"""

import jax, jax.numpy as jnp
import numpy as np

VOCAB = 100000
MAXLEN = 200
EMBED = 64
BATCH = 1024

def setup_inputs(seed: int = 0) -> dict:
    key = jax.random.key(seed)
    k1, k2, k3 = jax.random.split(key, 3)
    x = jax.random.randint(k1, (BATCH, MAXLEN), 0, VOCAB, dtype=jnp.int64 if jax.config.jax_enable_x64 else jnp.int32)
    token_table = jax.random.normal(k2, (VOCAB, EMBED), dtype=jnp.float32) * 0.02
    pos_table = jax.random.normal(k3, (MAXLEN, EMBED), dtype=jnp.float32) * 0.02
    return {"x": x, "token_table": token_table, "pos_table": pos_table}

def reference(x, token_table, pos_table):
    # positions = arange(0, seq_len) broadcast over batch
    seq_len = x.shape[1]
    positions = jnp.arange(seq_len)
    tok = jnp.take(token_table, x, axis=0)            # [B, L, D]
    pos = jnp.take(pos_table, positions, axis=0)[None]  # [1, L, D]
    return tok + pos

if __name__ == "__main__":
    import jax
    _d = setup_inputs()
    print(jax.jit(kernel)(*tuple(_d.values())))

</pallas_src>

<mosaic_0001>
#map = affine_map<(d0, d1) -> (0, 0, 0, 0)>
#map1 = affine_map<(d0, d1) -> (0, 0)>
#map2 = affine_map<(d0, d1) -> (0)>
module attributes {stable_mosaic.version = 14 : i64} {
  func.func @k(%arg0: i32, %arg1: i32, %arg2: memref<25x8x8x128xi32, #tpu.memory_space<hbm>>, %arg3: memref<100000x64xf32, #tpu.memory_space<hbm>>, %arg4: memref<208x64xf32, #tpu.memory_space<hbm>>, %arg5: memref<13107200xf32, #tpu.memory_space<hbm>>, %arg6: memref<2x8x8x128xi32, #tpu.memory_space<vmem>>, %arg7: memref<5x128x64xf32, #tpu.memory_space<vmem>>, %arg8: memref<8320xf32, #tpu.memory_space<vmem>>, %arg9: memref<5x8192xf32, #tpu.memory_space<vmem>>, %arg10: memref<8x64xf32, #tpu.memory_space<vmem>>, %arg11: memref<5x!tpu.dma_semaphore, #tpu.memory_space<semaphore_mem>>, %arg12: memref<5x!tpu.dma_semaphore, #tpu.memory_space<semaphore_mem>>) attributes {dimension_semantics = [#tpu.dimension_semantics<core_parallel>, #tpu.dimension_semantics<subcore_parallel>], iteration_bounds = array<i64: 2, 16>, scalar_prefetch = 0 : i64, scratch_operands = 7 : i64, tpu.core_type = #tpu.core_type<sc_vector_subcore>, window_params = [{transform_indices = #map}, {transform_indices = #map1}, {transform_indices = #map1}, {transform_indices = #map2}]} {
    %mul3A = arith.constant 2 : i32
    %mul3A_0 = arith.muli %arg1, %mul3A : i32
    %add3A = arith.addi %mul3A_0, %arg0 : i32
    %mul3A_1 = arith.constant 50 : i32
    %mul3A_2 = arith.muli %add3A, %mul3A_1 : i32
    %jit3A = arith.constant 8 : i32
    %div3A = arith.divsi %mul3A_2, %jit3A : i32
    %sign3A = arith.constant 0 : i32
    %sign3A_3 = arith.cmpi sgt, %mul3A_2, %sign3A : i32
    %sign3A_4 = arith.extui %sign3A_3 : i1 to i32
    %sign3A_5 = arith.constant 0 : i32
    %sign3A_6 = arith.cmpi slt, %mul3A_2, %sign3A_5 : i32
    %sign3A_7 = arith.extui %sign3A_6 : i1 to i32
    %sign3A_8 = arith.subi %sign3A_4, %sign3A_7 : i32
    %sign3A_9 = arith.constant 0 : i32
    %sign3A_10 = arith.cmpi sgt, %jit3A, %sign3A_9 : i32
    %sign3A_11 = arith.extui %sign3A_10 : i1 to i32
    %sign3A_12 = arith.constant 0 : i32
    %sign3A_13 = arith.cmpi slt, %jit3A, %sign3A_12 : i32
    %sign3A_14 = arith.extui %sign3A_13 : i1 to i32
    %sign3A_15 = arith.subi %sign3A_11, %sign3A_14 : i32
    %ne3A = arith.cmpi ne, %sign3A_8, %sign3A_15 : i32
    %rem3A = arith.remsi %mul3A_2, %jit3A : i32
    %ne3A_16 = arith.constant 0 : i32
    %ne3A_17 = arith.cmpi ne, %rem3A, %ne3A_16 : i32
    %and3A = arith.andi %ne3A, %ne3A_17 : i1
    %sub3A = arith.constant 1 : i32
    %sub3A_18 = arith.subi %div3A, %sub3A : i32
    %select_n3A = arith.select %and3A, %sub3A_18, %div3A : i32
    %jit3A_19 = arith.constant 8 : i32
    %div3A_20 = arith.divsi %select_n3A, %jit3A_19 : i32
    %sign3A_21 = arith.constant 0 : i32
    %sign3A_22 = arith.cmpi sgt, %select_n3A, %sign3A_21 : i32
    %sign3A_23 = arith.extui %sign3A_22 : i1 to i32
    %sign3A_24 = arith.constant 0 : i32
    %sign3A_25 = arith.cmpi slt, %select_n3A, %sign3A_24 : i32
    %sign3A_26 = arith.extui %sign3A_25 : i1 to i32
    %sign3A_27 = arith.subi %sign3A_23, %sign3A_26 : i32
    %sign3A_28 = arith.constant 0 : i32
    %sign3A_29 = arith.cmpi sgt, %jit3A_19, %sign3A_28 : i32
    %sign3A_30 = arith.extui %sign3A_29 : i1 to i32
    %sign3A_31 = arith.constant 0 : i32
    %sign3A_32 = arith.cmpi slt, %jit3A_19, %sign3A_31 : i32
    %sign3A_33 = arith.extui %sign3A_32 : i1 to i32
    %sign3A_34 = arith.subi %sign3A_30, %sign3A_33 : i32
    %ne3A_35 = arith.cmpi ne, %sign3A_27, %sign3A_34 : i32
    %rem3A_36 = arith.remsi %select_n3A, %jit3A_19 : i32
    %ne3A_37 = arith.constant 0 : i32
    %ne3A_38 = arith.cmpi ne, %rem3A_36, %ne3A_37 : i32
    %and3A_39 = arith.andi %ne3A_35, %ne3A_38 : i1
    %sub3A_40 = arith.constant 1 : i32
    %sub3A_41 = arith.subi %div3A_20, %sub3A_40 : i32
    %select_n3A_42 = arith.select %and3A_39, %sub3A_41, %div3A_20 : i32
    %min3A = arith.constant 23 : i32
    %min3A_43 = arith.minsi %select_n3A_42, %min3A : i32
    "tpu.region"() ({
      %run_scoped3A = tpu.sem_alloc : memref<!tpu.dma_semaphore, #tpu.memory_space<semaphore_mem>>
      %dma_start3A_372 = arith.constant 0 : i32
      %dma_start3A_373 = arith.constant 0 : i32
      %dma_start3A_374 = arith.constant 0 : i32
      %dma_start3A_375 = tpu.memref_slice %arg2[%min3A_43, %dma_start3A_372, %dma_start3A_373, %dma_start3A_374] : memref<25x8x8x128xi32, #tpu.memory_space<hbm>> -> memref<2x8x8x128xi32, #tpu.memory_space<hbm>>
      %dma_start3A_376 = arith.constant 0 : i32
      %dma_start3A_377 = arith.constant 0 : i32
      %dma_start3A_378 = arith.constant 0 : i32
      %dma_start3A_379 = tpu.memref_slice %arg2[%min3A_43, %dma_start3A_376, %dma_start3A_377, %dma_start3A_378] : memref<25x8x8x128xi32, #tpu.memory_space<hbm>> -> memref<2x8x8x128xi32, #tpu.memory_space<hbm>>
      tpu.enqueue_dma source(%dma_start3A_379 : memref<2x8x8x128xi32, #tpu.memory_space<hbm>>) target(%arg6 : memref<2x8x8x128xi32, #tpu.memory_space<vmem>>) target_semaphore(%run_scoped3A : memref<!tpu.dma_semaphore, #tpu.memory_space<semaphore_mem>>)
      %dma_wait3A_380 = arith.constant 0 : i32
      %dma_wait3A_381 = arith.constant 0 : i32
      %dma_wait3A_382 = arith.constant 0 : i32
      %dma_wait3A_383 = tpu.memref_slice %arg2[%min3A_43, %dma_wait3A_380, %dma_wait3A_381, %dma_wait3A_382] : memref<25x8x8x128xi32, #tpu.memory_space<hbm>> -> memref<2x8x8x128xi32, #tpu.memory_space<hbm>>
      %dma_wait3A_384 = arith.constant 0 : i32
      %dma_wait3A_385 = arith.constant 0 : i32
      %dma_wait3A_386 = arith.constant 0 : i32
      %dma_wait3A_387 = tpu.memref_slice %arg2[%min3A_43, %dma_wait3A_384, %dma_wait3A_385, %dma_wait3A_386] : memref<25x8x8x128xi32, #tpu.memory_space<hbm>> -> memref<2x8x8x128xi32, #tpu.memory_space<hbm>>
      tpu.wait_dma2 semaphore(%run_scoped3A : memref<!tpu.dma_semaphore, #tpu.memory_space<semaphore_mem>>) src(%dma_wait3A_387 : memref<2x8x8x128xi32, #tpu.memory_space<hbm>>) dst(%arg6 : memref<2x8x8x128xi32, #tpu.memory_space<vmem>>)
      tpu.yield
    }) : () -> ()
    "tpu.region"() ({
      %run_scoped3A = tpu.sem_alloc : memref<!tpu.dma_semaphore, #tpu.memory_space<semaphore_mem>>
      %dma_start3A_372 = arith.constant 0 : i32
      %dma_start3A_373 = tpu.memref_slice %arg4[%select_n3A, %dma_start3A_372] : memref<208x64xf32, #tpu.memory_space<hbm>> -> memref<8x64xf32, #tpu.memory_space<hbm>>
      %dma_start3A_374 = arith.constant 0 : i32
      %dma_start3A_375 = tpu.memref_slice %arg4[%select_n3A, %dma_start3A_374] : memref<208x64xf32, #tpu.memory_space<hbm>> -> memref<8x64xf32, #tpu.memory_space<hbm>>
      tpu.enqueue_dma source(%dma_start3A_375 : memref<8x64xf32, #tpu.memory_space<hbm>>) target(%arg10 : memref<8x64xf32, #tpu.memory_space<vmem>>) target_semaphore(%run_scoped3A : memref<!tpu.dma_semaphore, #tpu.memory_space<semaphore_mem>>)
      %dma_wait3A_376 = arith.constant 0 : i32
      %dma_wait3A_377 = tpu.memref_slice %arg4[%select_n3A, %dma_wait3A_376] : memref<208x64xf32, #tpu.memory_space<hbm>> -> memref<8x64xf32, #tpu.memory_space<hbm>>
      %dma_wait3A_378 = arith.constant 0 : i32
      %dma_wait3A_379 = tpu.memref_slice %arg4[%select_n3A, %dma_wait3A_378] : memref<208x64xf32, #tpu.memory_space<hbm>> -> memref<8x64xf32, #tpu.memory_space<hbm>>
      tpu.wait_dma2 semaphore(%run_scoped3A : memref<!tpu.dma_semaphore, #tpu.memory_space<semaphore_mem>>) src(%dma_wait3A_379 : memref<8x64xf32, #tpu.memory_space<hbm>>) dst(%arg10 : memref<8x64xf32, #tpu.memory_space<vmem>>)
      tpu.yield
    }) : () -> ()
    %iota3A = tpu.iota {dimensions = array<i32: 0>} : vector<16xi32>
    %add3A_44 = arith.constant 0 : i32
    %add3A_45 = vector.broadcast %add3A_44 : i32 to vector<16xi32>
    %add3A_46 = arith.addi %iota3A, %add3A_45 : vector<16xi32>
    %mul3A_47 = arith.constant 65 : i32
    %mul3A_48 = vector.broadcast %mul3A_47 : i32 to vector<16xi32>
    %mul3A_49 = arith.muli %add3A_46, %mul3A_48 : vector<16xi32>
    %add3A_50 = arith.constant 16 : i32
    %add3A_51 = vector.broadcast %add3A_50 : i32 to vector<16xi32>
    %add3A_52 = arith.addi %iota3A, %add3A_51 : vector<16xi32>
    %mul3A_53 = arith.constant 65 : i32
    %mul3A_54 = vector.broadcast %mul3A_53 : i32 to vector<16xi32>
    %mul3A_55 = arith.muli %add3A_52, %mul3A_54 : vector<16xi32>
    %add3A_56 = arith.constant 32 : i32
    %add3A_57 = vector.broadcast %add3A_56 : i32 to vector<16xi32>
    %add3A_58 = arith.addi %iota3A, %add3A_57 : vector<16xi32>
    %mul3A_59 = arith.constant 65 : i32
    %mul3A_60 = vector.broadcast %mul3A_59 : i32 to vector<16xi32>
    %mul3A_61 = arith.muli %add3A_58, %mul3A_60 : vector<16xi32>
    %add3A_62 = arith.constant 48 : i32
    %add3A_63 = vector.broadcast %add3A_62 : i32 to vector<16xi32>
    %add3A_64 = arith.addi %iota3A, %add3A_63 : vector<16xi32>
    %mul3A_65 = arith.constant 65 : i32
    %mul3A_66 = vector.broadcast %mul3A_65 : i32 to vector<16xi32>
    %mul3A_67 = arith.muli %add3A_64, %mul3A_66 : vector<16xi32>
    %add3A_68 = arith.constant 64 : i32
    %add3A_69 = vector.broadcast %add3A_68 : i32 to vector<16xi32>
    %add3A_70 = arith.addi %iota3A, %add3A_69 : vector<16xi32>
    %mul3A_71 = arith.constant 65 : i32
    %mul3A_72 = vector.broadcast %mul3A_71 : i32 to vector<16xi32>
    %mul3A_73 = arith.muli %add3A_70, %mul3A_72 : vector<16xi32>
    %add3A_74 = arith.constant 80 : i32
    %add3A_75 = vector.broadcast %add3A_74 : i32 to vector<16xi32>
    %add3A_76 = arith.addi %iota3A, %add3A_75 : vector<16xi32>
    %mul3A_77 = arith.constant 65 : i32
    %mul3A_78 = vector.broadcast %mul3A_77 : i32 to vector<16xi32>
    %mul3A_79 = arith.muli %add3A_76, %mul3A_78 : vector<16xi32>
    %add3A_80 = arith.constant 96 : i32
    %add3A_81 = vector.broadcast %add3A_80 : i32 to vector<16xi32>
    %add3A_82 = arith.addi %iota3A, %add3A_81 : vector<16xi32>
    %mul3A_83 = arith.constant 65 : i32
    %mul3A_84 = vector.broadcast %mul3A_83 : i32 to vector<16xi32>
    %mul3A_85 = arith.muli %add3A_82, %mul3A_84 : vector<16xi32>
    %add3A_86 = arith.constant 112 : i32
    %add3A_87 = vector.broadcast %add3A_86 : i32 to vector<16xi32>
    %add3A_88 = arith.addi %iota3A, %add3A_87 : vector<16xi32>
    %mul3A_89 = arith.constant 65 : i32
    %mul3A_90 = vector.broadcast %mul3A_89 : i32 to vector<16xi32>
    %mul3A_91 = arith.muli %add3A_88, %mul3A_90 : vector<16xi32>
    %add3A_92 = arith.constant 0 : i32
    %add3A_93 = arith.addi %mul3A_2, %add3A_92 : i32
    %jit3A_94 = arith.constant 8 : i32
    %div3A_95 = arith.divsi %add3A_93, %jit3A_94 : i32
    %sign3A_96 = arith.constant 0 : i32
    %sign3A_97 = arith.cmpi sgt, %add3A_93, %sign3A_96 : i32
    %sign3A_98 = arith.extui %sign3A_97 : i1 to i32
    %sign3A_99 = arith.constant 0 : i32
    %sign3A_100 = arith.cmpi slt, %add3A_93, %sign3A_99 : i32
    %sign3A_101 = arith.extui %sign3A_100 : i1 to i32
    %sign3A_102 = arith.subi %sign3A_98, %sign3A_101 : i32
    %sign3A_103 = arith.constant 0 : i32
    %sign3A_104 = arith.cmpi sgt, %jit3A_94, %sign3A_103 : i32
    %sign3A_105 = arith.extui %sign3A_104 : i1 to i32
    %sign3A_106 = arith.constant 0 : i32
    %sign3A_107 = arith.cmpi slt, %jit3A_94, %sign3A_106 : i32
    %sign3A_108 = arith.extui %sign3A_107 : i1 to i32
    %sign3A_109 = arith.subi %sign3A_105, %sign3A_108 : i32
    %ne3A_110 = arith.cmpi ne, %sign3A_102, %sign3A_109 : i32
    %rem3A_111 = arith.remsi %add3A_93, %jit3A_94 : i32
    %ne3A_112 = arith.constant 0 : i32
    %ne3A_113 = arith.cmpi ne, %rem3A_111, %ne3A_112 : i32
    %and3A_114 = arith.andi %ne3A_110, %ne3A_113 : i1
    %sub3A_115 = arith.constant 1 : i32
    %sub3A_116 = arith.subi %div3A_95, %sub3A_115 : i32
    %select_n3A_117 = arith.select %and3A_114, %sub3A_116, %div3A_95 : i32
    %rem3A_118 = arith.constant 8 : i32
    %rem3A_119 = arith.remsi %add3A_93, %rem3A_118 : i32
    %jit3A_120 = arith.constant 8 : i32
    %div3A_121 = arith.divsi %select_n3A_117, %jit3A_120 : i32
    %sign3A_122 = arith.constant 0 : i32
    %sign3A_123 = arith.cmpi sgt, %select_n3A_117, %sign3A_122 : i32
    %sign3A_124 = arith.extui %sign3A_123 : i1 to i32
    %sign3A_125 = arith.constant 0 : i32
    %sign3A_126 = arith.cmpi slt, %select_n3A_117, %sign3A_125 : i32
    %sign3A_127 = arith.extui %sign3A_126 : i1 to i32
    %sign3A_128 = arith.subi %sign3A_124, %sign3A_127 : i32
    %sign3A_129 = arith.constant 0 : i32
    %sign3A_130 = arith.cmpi sgt, %jit3A_120, %sign3A_129 : i32
    %sign3A_131 = arith.extui %sign3A_130 : i1 to i32
    %sign3A_132 = arith.constant 0 : i32
    %sign3A_133 = arith.cmpi slt, %jit3A_120, %sign3A_132 : i32
    %sign3A_134 = arith.extui %sign3A_133 : i1 to i32
    %sign3A_135 = arith.subi %sign3A_131, %sign3A_134 : i32
    %ne3A_136 = arith.cmpi ne, %sign3A_128, %sign3A_135 : i32
    %rem3A_137 = arith.remsi %select_n3A_117, %jit3A_120 : i32
    %ne3A_138 = arith.constant 0 : i32
    %ne3A_139 = arith.cmpi ne, %rem3A_137, %ne3A_138 : i32
    %and3A_140 = arith.andi %ne3A_136, %ne3A_139 : i1
    %sub3A_141 = arith.constant 1 : i32
    %sub3A_142 = arith.subi %div3A_121, %sub3A_141 : i32
    %select_n3A_143 = arith.select %and3A_140, %sub3A_142, %div3A_121 : i32
    %sub3A_144 = arith.subi %select_n3A_143, %min3A_43 : i32
    %rem3A_145 = arith.constant 8 : i32
    %rem3A_146 = arith.remsi %select_n3A_117, %rem3A_145 : i32
    %dma_start3A = arith.constant 0 : i32
    %dma_start3A_147 = arith.constant 0 : i32
    %dma_start3A_148 = arith.constant 0 : i32
    %dma_start3A_149 = arith.constant 0 : i32
    %dma_start3A_150 = tpu.memref_slice %arg7[%dma_start3A, %dma_start3A_148, %dma_start3A_149] : memref<5x128x64xf32, #tpu.memory_space<vmem>> -> memref<1x128x64xf32, #tpu.memory_space<vmem>>
    %dma_start3A_151 = tpu.memref_squeeze %dma_start3A_150 : memref<1x128x64xf32, #tpu.memory_space<vmem>> -> memref<128x64xf32, #tpu.memory_space<vmem>>
    %dma_start3A_152 = arith.constant 0 : i32
    %dma_start3A_153 = tpu.memref_slice %arg6[%sub3A_144, %rem3A_119, %rem3A_146, %dma_start3A_152] : memref<2x8x8x128xi32, #tpu.memory_space<vmem>> -> memref<1x1x1x128xi32, #tpu.memory_space<vmem>>
    %dma_start3A_154 = tpu.memref_squeeze %dma_start3A_153 : memref<1x1x1x128xi32, #tpu.memory_space<vmem>> -> memref<128xi32, #tpu.memory_space<vmem>>
    %dma_start3A_155 = arith.constant 0 : i32
    %dma_start3A_156 = arith.constant 0 : i32
    %dma_start3A_157 = tpu.memref_slice %arg3[%dma_start3A_155, %dma_start3A_156] : memref<100000x64xf32, #tpu.memory_space<hbm>> -> memref<100000x64xf32, #tpu.memory_space<hbm>>
    %dma_start3A_158 = tpu.memref_slice %arg11[%dma_start3A_147] : memref<5x!tpu.dma_semaphore, #tpu.memory_space<semaphore_mem>> -> memref<1x!tpu.dma_semaphore, #tpu.memory_space<semaphore_mem>>
    %dma_start3A_159 = tpu.memref_squeeze %dma_start3A_158 : memref<1x!tpu.dma_semaphore, #tpu.memory_space<semaphore_mem>> -> memref<!tpu.dma_semaphore, #tpu.memory_space<semaphore_mem>>
    tpu.enqueue_indirect_dma source(%dma_start3A_157 : memref<100000x64xf32, #tpu.memory_space<hbm>>) target(%dma_start3A_151 : memref<128x64xf32, #tpu.memory_space<vmem>>) offsets(%dma_start3A_154 : memref<128xi32, #tpu.memory_space<vmem>>) semaphore(%dma_start3A_159 : memref<!tpu.dma_semaphore, #tpu.memory_space<semaphore_mem>>)
    %add3A_160 = arith.constant 1 : i32
    %add3A_161 = arith.addi %mul3A_2, %add3A_160 : i32
    %jit3A_162 = arith.constant 8 : i32
    %div3A_163 = arith.divsi %add3A_161, %jit3A_162 : i32
    %sign3A_164 = arith.constant 0 : i32
    %sign3A_165 = arith.cmpi sgt, %add3A_161, %sign3A_164 : i32
    %sign3A_166 = arith.extui %sign3A_165 : i1 to i32
    %sign3A_167 = arith.constant 0 : i32
    %sign3A_168 = arith.cmpi slt, %add3A_161, %sign3A_167 : i32
    %sign3A_169 = arith.extui %sign3A_168 : i1 to i32
    %sign3A_170 = arith.subi %sign3A_166, %sign3A_169 : i32
    %sign3A_171 = arith.constant 0 : i32
    %sign3A_172 = arith.cmpi sgt, %jit3A_162, %sign3A_171 : i32
    %sign3A_173 = arith.extui %sign3A_172 : i1 to i32
    %sign3A_174 = arith.constant 0 : i32
    %sign3A_175 = arith.cmpi slt, %jit3A_162, %sign3A_174 : i32
    %sign3A_176 = arith.extui %sign3A_175 : i1 to i32
    %sign3A_177 = arith.subi %sign3A_173, %sign3A_176 : i32
    %ne3A_178 = arith.cmpi ne, %sign3A_170, %sign3A_177 : i32
    %rem3A_179 = arith.remsi %add3A_161, %jit3A_162 : i32
    %ne3A_180 = arith.constant 0 : i32
    %ne3A_181 = arith.cmpi ne, %rem3A_179, %ne3A_180 : i32
    %and3A_182 = arith.andi %ne3A_178, %ne3A_181 : i1
    %sub3A_183 = arith.constant 1 : i32
    %sub3A_184 = arith.subi %div3A_163, %sub3A_183 : i32
    %select_n3A_185 = arith.select %and3A_182, %sub3A_184, %div3A_163 : i32
    %rem3A_186 = arith.constant 8 : i32
    %rem3A_187 = arith.remsi %add3A_161, %rem3A_186 : i32
    %jit3A_188 = arith.constant 8 : i32
    %div3A_189 = arith.divsi %select_n3A_185, %jit3A_188 : i32
    %sign3A_190 = arith.constant 0 : i32
    %sign3A_191 = arith.cmpi sgt, %select_n3A_185, %sign3A_190 : i32
    %sign3A_192 = arith.extui %sign3A_191 : i1 to i32
    %sign3A_193 = arith.constant 0 : i32
    %sign3A_194 = arith.cmpi slt, %select_n3A_185, %sign3A_193 : i32
    %sign3A_195 = arith.extui %sign3A_194 : i1 to i32
    %sign3A_196 = arith.subi %sign3A_192, %sign3A_195 : i32
    %sign3A_197 = arith.constant 0 : i32
    %sign3A_198 = arith.cmpi sgt, %jit3A_188, %sign3A_197 : i32
    %sign3A_199 = arith.extui %sign3A_198 : i1 to i32
    %sign3A_200 = arith.constant 0 : i32
    %sign3A_201 = arith.cmpi slt, %jit3A_188, %sign3A_200 : i32
    %sign3A_202 = arith.extui %sign3A_201 : i1 to i32
    %sign3A_203 = arith.subi %sign3A_199, %sign3A_202 : i32
    %ne3A_204 = arith.cmpi ne, %sign3A_196, %sign3A_203 : i32
    %rem3A_205 = arith.remsi %select_n3A_185, %jit3A_188 : i32
    %ne3A_206 = arith.constant 0 : i32
    %ne3A_207 = arith.cmpi ne, %rem3A_205, %ne3A_206 : i32
    %and3A_208 = arith.andi %ne3A_204, %ne3A_207 : i1
    %sub3A_209 = arith.constant 1 : i32
    %sub3A_210 = arith.subi %div3A_189, %sub3A_209 : i32
    %select_n3A_211 = arith.select %and3A_208, %sub3A_210, %div3A_189 : i32
    %sub3A_212 = arith.subi %select_n3A_211, %min3A_43 : i32
    %rem3A_213 = arith.constant 8 : i32
    %rem3A_214 = arith.remsi %select_n3A_185, %rem3A_213 : i32
    %dma_start3A_215 = arith.constant 1 : i32
    %dma_start3A_216 = arith.constant 1 : i32
    %dma_start3A_217 = arith.constant 0 : i32
    %dma_start3A_218 = arith.constant 0 : i32
    %dma_start3A_219 = tpu.memref_slice %arg7[%dma_start3A_215, %dma_start3A_217, %dma_start3A_218] : memref<5x128x64xf32, #tpu.memory_space<vmem>> -> memref<1x128x64xf32, #tpu.memory_space<vmem>>
    %dma_start3A_220 = tpu.memref_squeeze %dma_start3A_219 : memref<1x128x64xf32, #tpu.memory_space<vmem>> -> memref<128x64xf32, #tpu.memory_space<vmem>>
    %dma_start3A_221 = arith.constant 0 : i32
    %dma_start3A_222 = tpu.memref_slice %arg6[%sub3A_212, %rem3A_187, %rem3A_214, %dma_start3A_221] : memref<2x8x8x128xi32, #tpu.memory_space<vmem>> -> memref<1x1x1x128xi32, #tpu.memory_space<vmem>>
    %dma_start3A_223 = tpu.memref_squeeze %dma_start3A_222 : memref<1x1x1x128xi32, #tpu.memory_space<vmem>> -> memref<128xi32, #tpu.memory_space<vmem>>
    %dma_start3A_224 = arith.constant 0 : i32
    %dma_start3A_225 = arith.constant 0 : i32
    %dma_start3A_226 = tpu.memref_slice %arg3[%dma_start3A_224, %dma_start3A_225] : memref<100000x64xf32, #tpu.memory_space<hbm>> -> memref<100000x64xf32, #tpu.memory_space<hbm>>
    %dma_start3A_227 = tpu.memref_slice %arg11[%dma_start3A_216] : memref<5x!tpu.dma_semaphore, #tpu.memory_space<semaphore_mem>> -> memref<1x!tpu.dma_semaphore, #tpu.memory_space<semaphore_mem>>
    %dma_start3A_228 = tpu.memref_squeeze %dma_start3A_227 : memref<1x!tpu.dma_semaphore, #tpu.memory_space<semaphore_mem>> -> memref<!tpu.dma_semaphore, #tpu.memory_space<semaphore_mem>>
    tpu.enqueue_indirect_dma source(%dma_start3A_226 : memref<100000x64xf32, #tpu.memory_space<hbm>>) target(%dma_start3A_220 : memref<128x64xf32, #tpu.memory_space<vmem>>) offsets(%dma_start3A_223 : memref<128xi32, #tpu.memory_space<vmem>>) semaphore(%dma_start3A_228 : memref<!tpu.dma_semaphore, #tpu.memory_space<semaphore_mem>>)
    %add3A_229 = arith.constant 2 : i32
    %add3A_230 = arith.addi %mul3A_2, %add3A_229 : i32
    %jit3A_231 = arith.constant 8 : i32
    %div3A_232 = arith.divsi %add3A_230, %jit3A_231 : i32
    %sign3A_233 = arith.constant 0 : i32
    %sign3A_234 = arith.cmpi sgt, %add3A_230, %sign3A_233 : i32
    %sign3A_235 = arith.extui %sign3A_234 : i1 to i32
    %sign3A_236 = arith.constant 0 : i32
    %sign3A_237 = arith.cmpi slt, %add3A_230, %sign3A_236 : i32
    %sign3A_238 = arith.extui %sign3A_237 : i1 to i32
    %sign3A_239 = arith.subi %sign3A_235, %sign3A_238 : i32
    %sign3A_240 = arith.constant 0 : i32
    %sign3A_241 = arith.cmpi sgt, %jit3A_231, %sign3A_240 : i32
    %sign3A_242 = arith.extui %sign3A_241 : i1 to i32
    %sign3A_243 = arith.constant 0 : i32
    %sign3A_244 = arith.cmpi slt, %jit3A_231, %sign3A_243 : i32
    %sign3A_245 = arith.extui %sign3A_244 : i1 to i32
    %sign3A_246 = arith.subi %sign3A_242, %sign3A_245 : i32
    %ne3A_247 = arith.cmpi ne, %sign3A_239, %sign3A_246 : i32
    %rem3A_248 = arith.remsi %add3A_230, %jit3A_231 : i32
    %ne3A_249 = arith.constant 0 : i32
    %ne3A_250 = arith.cmpi ne, %rem3A_248, %ne3A_249 : i32
    %and3A_251 = arith.andi %ne3A_247, %ne3A_250 : i1
    %sub3A_252 = arith.constant 1 : i32
    %sub3A_253 = arith.subi %div3A_232, %sub3A_252 : i32
    %select_n3A_254 = arith.select %and3A_251, %sub3A_253, %div3A_232 : i32
    %rem3A_255 = arith.constant 8 : i32
    %rem3A_256 = arith.remsi %add3A_230, %rem3A_255 : i32
    %jit3A_257 = arith.constant 8 : i32
    %div3A_258 = arith.divsi %select_n3A_254, %jit3A_257 : i32
    %sign3A_259 = arith.constant 0 : i32
    %sign3A_260 = arith.cmpi sgt, %select_n3A_254, %sign3A_259 : i32
    %sign3A_261 = arith.extui %sign3A_260 : i1 to i32
    %sign3A_262 = arith.constant 0 : i32
    %sign3A_263 = arith.cmpi slt, %select_n3A_254, %sign3A_262 : i32
    %sign3A_264 = arith.extui %sign3A_263 : i1 to i32
    %sign3A_265 = arith.subi %sign3A_261, %sign3A_264 : i32
    %sign3A_266 = arith.constant 0 : i32
    %sign3A_267 = arith.cmpi sgt, %jit3A_257, %sign3A_266 : i32
    %sign3A_268 = arith.extui %sign3A_267 : i1 to i32
    %sign3A_269 = arith.constant 0 : i32
    %sign3A_270 = arith.cmpi slt, %jit3A_257, %sign3A_269 : i32
    %sign3A_271 = arith.extui %sign3A_270 : i1 to i32
    %sign3A_272 = arith.subi %sign3A_268, %sign3A_271 : i32
    %ne3A_273 = arith.cmpi ne, %sign3A_265, %sign3A_272 : i32
    %rem3A_274 = arith.remsi %select_n3A_254, %jit3A_257 : i32
    %ne3A_275 = arith.constant 0 : i32
    %ne3A_276 = arith.cmpi ne, %rem3A_274, %ne3A_275 : i32
    %and3A_277 = arith.andi %ne3A_273, %ne3A_276 : i1
    %sub3A_278 = arith.constant 1 : i32
    %sub3A_279 = arith.subi %div3A_258, %sub3A_278 : i32
    %select_n3A_280 = arith.select %and3A_277, %sub3A_279, %div3A_258 : i32
    %sub3A_281 = arith.subi %select_n3A_280, %min3A_43 : i32
    %rem3A_282 = arith.constant 8 : i32
    %rem3A_283 = arith.remsi %select_n3A_254, %rem3A_282 : i32
    %dma_start3A_284 = arith.constant 2 : i32
    %dma_start3A_285 = arith.constant 2 : i32
    %dma_start3A_286 = arith.constant 0 : i32
    %dma_start3A_287 = arith.constant 0 : i32
    %dma_start3A_288 = tpu.memref_slice %arg7[%dma_start3A_284, %dma_start3A_286, %dma_start3A_287] : memref<5x128x64xf32, #tpu.memory_space<vmem>> -> memref<1x128x64xf32, #tpu.memory_space<vmem>>
    %dma_start3A_289 = tpu.memref_squeeze %dma_start3A_288 : memref<1x128x64xf32, #tpu.memory_space<vmem>> -> memref<128x64xf32, #tpu.memory_space<vmem>>
    %dma_start3A_290 = arith.constant 0 : i32
    %dma_start3A_291 = tpu.memref_slice %arg6[%sub3A_281, %rem3A_256, %rem3A_283, %dma_start3A_290] : memref<2x8x8x128xi32, #tpu.memory_space<vmem>> -> memref<1x1x1x128xi32, #tpu.memory_space<vmem>>
    %dma_start3A_292 = tpu.memref_squeeze %dma_start3A_291 : memref<1x1x1x128xi32, #tpu.memory_space<vmem>> -> memref<128xi32, #tpu.memory_space<vmem>>
    %dma_start3A_293 = arith.constant 0 : i32
    %dma_start3A_294 = arith.constant 0 : i32
    %dma_start3A_295 = tpu.memref_slice %arg3[%dma_start3A_293, %dma_start3A_294] : memref<100000x64xf32, #tpu.memory_space<hbm>> -> memref<100000x64xf32, #tpu.memory_space<hbm>>
    %dma_start3A_296 = tpu.memref_slice %arg11[%dma_start3A_285] : memref<5x!tpu.dma_semaphore, #tpu.memory_space<semaphore_mem>> -> memref<1x!tpu.dma_semaphore, #tpu.memory_space<semaphore_mem>>
    %dma_start3A_297 = tpu.memref_squeeze %dma_start3A_296 : memref<1x!tpu.dma_semaphore, #tpu.memory_space<semaphore_mem>> -> memref<!tpu.dma_semaphore, #tpu.memory_space<semaphore_mem>>
    tpu.enqueue_indirect_dma source(%dma_start3A_295 : memref<100000x64xf32, #tpu.memory_space<hbm>>) target(%dma_start3A_289 : memref<128x64xf32, #tpu.memory_space<vmem>>) offsets(%dma_start3A_292 : memref<128xi32, #tpu.memory_space<vmem>>) semaphore(%dma_start3A_297 : memref<!tpu.dma_semaphore, #tpu.memory_space<semaphore_mem>>)
    %scan3A = arith.constant 0 : i32
    %scan3A_298 = arith.constant 0 : i32
    %scan3A_299 = arith.constant 50 : i32
    %scan3A_300 = arith.addi %scan3A_298, %scan3A_299 : i32
    %scan3A_301 = arith.constant 1 : i32
    scf.for %scan3A_372 = %scan3A_298 to %scan3A_300 step %scan3A_301  : i32 {
      %rem3A_373 = arith.constant 5 : i32
      %rem3A_374 = arith.remsi %scan3A_372, %rem3A_373 : i32
      %add3A_375 = arith.constant 3 : i32
      %add3A_376 = arith.addi %scan3A_372, %add3A_375 : i32
      %rem3A_377 = arith.constant 5 : i32
      %rem3A_378 = arith.remsi %add3A_376, %rem3A_377 : i32
      %lt3A = arith.constant 50 : i32
      %lt3A_379 = arith.cmpi slt, %add3A_376, %lt3A : i32
      %convert_element_type3A = arith.extui %lt3A_379 : i1 to i32
      %cond3A = arith.constant 0 : i32
      %cond3A_380 = arith.cmpi ne, %convert_element_type3A, %cond3A : i32
      scf.if %cond3A_380 {
        %ge3A = arith.constant 5 : i32
        %ge3A_572 = arith.cmpi sge, %add3A_376, %ge3A : i32
        %convert_element_type3A_573 = arith.extui %ge3A_572 : i1 to i32
        %cond3A_574 = arith.constant 0 : i32
        %cond3A_575 = arith.cmpi ne, %convert_element_type3A_573, %cond3A_574 : i32
        scf.if %cond3A_575 {
          %dma_wait3A_642 = arith.constant 0 : i32
          %dma_wait3A_643 = tpu.memref_slice %arg9[%rem3A_378, %dma_wait3A_642] : memref<5x8192xf32, #tpu.memory_space<vmem>> -> memref<1x8192xf32, #tpu.memory_space<vmem>>
          %dma_wait3A_644 = tpu.memref_squeeze %dma_wait3A_643 : memref<1x8192xf32, #tpu.memory_space<vmem>> -> memref<8192xf32, #tpu.memory_space<vmem>>
          %dma_wait3A_645 = arith.constant 0 : i32
          %dma_wait3A_646 = tpu.memref_slice %arg5[%dma_wait3A_645] : memref<13107200xf32, #tpu.memory_space<hbm>> -> memref<8192xf32, #tpu.memory_space<hbm>>
          %dma_wait3A_647 = tpu.memref_slice %arg12[%rem3A_378] : memref<5x!tpu.dma_semaphore, #tpu.memory_space<semaphore_mem>> -> memref<1x!tpu.dma_semaphore, #tpu.memory_space<semaphore_mem>>
          %dma_wait3A_648 = tpu.memref_squeeze %dma_wait3A_647 : memref<1x!tpu.dma_semaphore, #tpu.memory_space<semaphore_mem>> -> memref<!tpu.dma_semaphore, #tpu.memory_space<semaphore_mem>>
          %dma_wait3A_649 = arith.constant 0 : i32
          %dma_wait3A_650 = tpu.memref_slice %arg5[%dma_wait3A_649] : memref<13107200xf32, #tpu.memory_space<hbm>> -> memref<8192xf32, #tpu.memory_space<hbm>>
          %dma_wait3A_651 = arith.constant 0 : i32
          %dma_wait3A_652 = tpu.memref_slice %arg9[%rem3A_378, %dma_wait3A_651] : memref<5x8192xf32, #tpu.memory_space<vmem>> -> memref<1x8192xf32, #tpu.memory_space<vmem>>
          %dma_wait3A_653 = tpu.memref_squeeze %dma_wait3A_652 : memref<1x8192xf32, #tpu.memory_space<vmem>> -> memref<8192xf32, #tpu.memory_space<vmem>>
          tpu.wait_dma2 semaphore(%dma_wait3A_648 : memref<!tpu.dma_semaphore, #tpu.memory_space<semaphore_mem>>) src(%dma_wait3A_653 : memref<8192xf32, #tpu.memory_space<vmem>>) dst(%dma_wait3A_650 : memref<8192xf32, #tpu.memory_space<hbm>>)
        } else {
        }
        %add3A_576 = arith.addi %mul3A_2, %add3A_376 : i32
        %jit3A_577 = arith.constant 8 : i32
        %div3A_578 = arith.divsi %add3A_576, %jit3A_577 : i32
        %sign3A_579 = arith.constant 0 : i32
        %sign3A_580 = arith.cmpi sgt, %add3A_576, %sign3A_579 : i32
        %sign3A_581 = arith.extui %sign3A_580 : i1 to i32
        %sign3A_582 = arith.constant 0 : i32
        %sign3A_583 = arith.cmpi slt, %add3A_576, %sign3A_582 : i32
        %sign3A_584 = arith.extui %sign3A_583 : i1 to i32
        %sign3A_585 = arith.subi %sign3A_581, %sign3A_584 : i32
        %sign3A_586 = arith.constant 0 : i32
        %sign3A_587 = arith.cmpi sgt, %jit3A_577, %sign3A_586 : i32
        %sign3A_588 = arith.extui %sign3A_587 : i1 to i32
        %sign3A_589 = arith.constant 0 : i32
        %sign3A_590 = arith.cmpi slt, %jit3A_577, %sign3A_589 : i32
        %sign3A_591 = arith.extui %sign3A_590 : i1 to i32
        %sign3A_592 = arith.subi %sign3A_588, %sign3A_591 : i32
        %ne3A_593 = arith.cmpi ne, %sign3A_585, %sign3A_592 : i32
        %rem3A_594 = arith.remsi %add3A_576, %jit3A_577 : i32
        %ne3A_595 = arith.constant 0 : i32
        %ne3A_596 = arith.cmpi ne, %rem3A_594, %ne3A_595 : i32
        %and3A_597 = arith.andi %ne3A_593, %ne3A_596 : i1
        %sub3A_598 = arith.constant 1 : i32
        %sub3A_599 = arith.subi %div3A_578, %sub3A_598 : i32
        %select_n3A_600 = arith.select %and3A_597, %sub3A_599, %div3A_578 : i32
        %rem3A_601 = arith.constant 8 : i32
        %rem3A_602 = arith.remsi %add3A_576, %rem3A_601 : i32
        %jit3A_603 = arith.constant 8 : i32
        %div3A_604 = arith.divsi %select_n3A_600, %jit3A_603 : i32
        %sign3A_605 = arith.constant 0 : i32
        %sign3A_606 = arith.cmpi sgt, %select_n3A_600, %sign3A_605 : i32
        %sign3A_607 = arith.extui %sign3A_606 : i1 to i32
        %sign3A_608 = arith.constant 0 : i32
        %sign3A_609 = arith.cmpi slt, %select_n3A_600, %sign3A_608 : i32
        %sign3A_610 = arith.extui %sign3A_609 : i1 to i32
        %sign3A_611 = arith.subi %sign3A_607, %sign3A_610 : i32
        %sign3A_612 = arith.constant 0 : i32
        %sign3A_613 = arith.cmpi sgt, %jit3A_603, %sign3A_612 : i32
        %sign3A_614 = arith.extui %sign3A_613 : i1 to i32
        %sign3A_615 = arith.constant 0 : i32
        %sign3A_616 = arith.cmpi slt, %jit3A_603, %sign3A_615 : i32
        %sign3A_617 = arith.extui %sign3A_616 : i1 to i32
        %sign3A_618 = arith.subi %sign3A_614, %sign3A_617 : i32
        %ne3A_619 = arith.cmpi ne, %sign3A_611, %sign3A_618 : i32
        %rem3A_620 = arith.remsi %select_n3A_600, %jit3A_603 : i32
        %ne3A_621 = arith.constant 0 : i32
        %ne3A_622 = arith.cmpi ne, %rem3A_620, %ne3A_621 : i32
        %and3A_623 = arith.andi %ne3A_619, %ne3A_622 : i1
        %sub3A_624 = arith.constant 1 : i32
        %sub3A_625 = arith.subi %div3A_604, %sub3A_624 : i32
        %select_n3A_626 = arith.select %and3A_623, %sub3A_625, %div3A_604 : i32
        %sub3A_627 = arith.subi %select_n3A_626, %min3A_43 : i32
        %rem3A_628 = arith.constant 8 : i32
        %rem3A_629 = arith.remsi %select_n3A_600, %rem3A_628 : i32
        %dma_start3A_630 = arith.constant 0 : i32
        %dma_start3A_631 = arith.constant 0 : i32
        %dma_start3A_632 = tpu.memref_slice %arg7[%rem3A_378, %dma_start3A_630, %dma_start3A_631] : memref<5x128x64xf32, #tpu.memory_space<vmem>> -> memref<1x128x64xf32, #tpu.memory_space<vmem>>
        %dma_start3A_633 = tpu.memref_squeeze %dma_start3A_632 : memref<1x128x64xf32, #tpu.memory_space<vmem>> -> memref<128x64xf32, #tpu.memory_space<vmem>>
        %dma_start3A_634 = arith.constant 0 : i32
        %dma_start3A_635 = tpu.memref_slice %arg6[%sub3A_627, %rem3A_602, %rem3A_629, %dma_start3A_634] : memref<2x8x8x128xi32, #tpu.memory_space<vmem>> -> memref<1x1x1x128xi32, #tpu.memory_space<vmem>>
        %dma_start3A_636 = tpu.memref_squeeze %dma_start3A_635 : memref<1x1x1x128xi32, #tpu.memory_space<vmem>> -> memref<128xi32, #tpu.memory_space<vmem>>
        %dma_start3A_637 = arith.constant 0 : i32
        %dma_start3A_638 = arith.constant 0 : i32
        %dma_start3A_639 = tpu.memref_slice %arg3[%dma_start3A_637, %dma_start3A_638] : memref<100000x64xf32, #tpu.memory_space<hbm>> -> memref<100000x64xf32, #tpu.memory_space<hbm>>
        %dma_start3A_640 = tpu.memref_slice %arg11[%rem3A_378] : memref<5x!tpu.dma_semaphore, #tpu.memory_space<semaphore_mem>> -> memref<1x!tpu.dma_semaphore, #tpu.memory_space<semaphore_mem>>
        %dma_start3A_641 = tpu.memref_squeeze %dma_start3A_640 : memref<1x!tpu.dma_semaphore, #tpu.memory_space<semaphore_mem>> -> memref<!tpu.dma_semaphore, #tpu.memory_space<semaphore_mem>>
        tpu.enqueue_indirect_dma source(%dma_start3A_639 : memref<100000x64xf32, #tpu.memory_space<hbm>>) target(%dma_start3A_633 : memref<128x64xf32, #tpu.memory_space<vmem>>) offsets(%dma_start3A_636 : memref<128xi32, #tpu.memory_space<vmem>>) semaphore(%dma_start3A_641 : memref<!tpu.dma_semaphore, #tpu.memory_space<semaphore_mem>>)
      } else {
      }
      %dma_wait3A_381 = arith.constant 0 : i32
      %dma_wait3A_382 = arith.constant 0 : i32
      %dma_wait3A_383 = tpu.memref_slice %arg7[%rem3A_374, %dma_wait3A_381, %dma_wait3A_382] : memref<5x128x64xf32, #tpu.memory_space<vmem>> -> memref<1x128x64xf32, #tpu.memory_space<vmem>>
      %dma_wait3A_384 = tpu.memref_squeeze %dma_wait3A_383 : memref<1x128x64xf32, #tpu.memory_space<vmem>> -> memref<128x64xf32, #tpu.memory_space<vmem>>
      %dma_wait3A_385 = arith.constant 0 : i32
      %dma_wait3A_386 = tpu.memref_slice %arg5[%dma_wait3A_385] : memref<13107200xf32, #tpu.memory_space<hbm>> -> memref<8192xf32, #tpu.memory_space<hbm>>
      %dma_wait3A_387 = tpu.memref_slice %arg11[%rem3A_374] : memref<5x!tpu.dma_semaphore, #tpu.memory_space<semaphore_mem>> -> memref<1x!tpu.dma_semaphore, #tpu.memory_space<semaphore_mem>>
      %dma_wait3A_388 = tpu.memref_squeeze %dma_wait3A_387 : memref<1x!tpu.dma_semaphore, #tpu.memory_space<semaphore_mem>> -> memref<!tpu.dma_semaphore, #tpu.memory_space<semaphore_mem>>
      %dma_wait3A_389 = arith.constant 0 : i32
      %dma_wait3A_390 = arith.constant 0 : i32
      %dma_wait3A_391 = tpu.memref_slice %arg7[%rem3A_374, %dma_wait3A_389, %dma_wait3A_390] : memref<5x128x64xf32, #tpu.memory_space<vmem>> -> memref<1x128x64xf32, #tpu.memory_space<vmem>>
      %dma_wait3A_392 = tpu.memref_squeeze %dma_wait3A_391 : memref<1x128x64xf32, #tpu.memory_space<vmem>> -> memref<128x64xf32, #tpu.memory_space<vmem>>
      %dma_wait3A_393 = arith.constant 0 : i32
      %dma_wait3A_394 = tpu.memref_slice %arg5[%dma_wait3A_393] : memref<13107200xf32, #tpu.memory_space<hbm>> -> memref<8192xf32, #tpu.memory_space<hbm>>
      tpu.wait_dma2 semaphore(%dma_wait3A_388 : memref<!tpu.dma_semaphore, #tpu.memory_space<semaphore_mem>>) src(%dma_wait3A_394 : memref<8192xf32, #tpu.memory_space<hbm>>) dst(%dma_wait3A_392 : memref<128x64xf32, #tpu.memory_space<vmem>>)
      %add3A_395 = arith.addi %mul3A_2, %scan3A_372 : i32
      %jit3A_396 = arith.constant 8 : i32
      %div3A_397 = arith.divsi %add3A_395, %jit3A_396 : i32
      %sign3A_398 = arith.constant 0 : i32
      %sign3A_399 = arith.cmpi sgt, %add3A_395, %sign3A_398 : i32
      %sign3A_400 = arith.extui %sign3A_399 : i1 to i32
      %sign3A_401 = arith.constant 0 : i32
      %sign3A_402 = arith.cmpi slt, %add3A_395, %sign3A_401 : i32
      %sign3A_403 = arith.extui %sign3A_402 : i1 to i32
      %sign3A_404 = arith.subi %sign3A_400, %sign3A_403 : i32
      %sign3A_405 = arith.constant 0 : i32
      %sign3A_406 = arith.cmpi sgt, %jit3A_396, %sign3A_405 : i32
      %sign3A_407 = arith.extui %sign3A_406 : i1 to i32
      %sign3A_408 = arith.constant 0 : i32
      %sign3A_409 = arith.cmpi slt, %jit3A_396, %sign3A_408 : i32
      %sign3A_410 = arith.extui %sign3A_409 : i1 to i32
      %sign3A_411 = arith.subi %sign3A_407, %sign3A_410 : i32
      %ne3A_412 = arith.cmpi ne, %sign3A_404, %sign3A_411 : i32
      %rem3A_413 = arith.remsi %add3A_395, %jit3A_396 : i32
      %ne3A_414 = arith.constant 0 : i32
      %ne3A_415 = arith.cmpi ne, %rem3A_413, %ne3A_414 : i32
      %and3A_416 = arith.andi %ne3A_412, %ne3A_415 : i1
      %sub3A_417 = arith.constant 1 : i32
      %sub3A_418 = arith.subi %div3A_397, %sub3A_417 : i32
      %select_n3A_419 = arith.select %and3A_416, %sub3A_418, %div3A_397 : i32
      %sub3A_420 = arith.subi %select_n3A_419, %select_n3A : i32
      %get3A = arith.index_cast %sub3A_420 : i32 to index
      %get3A_421 = arith.constant 0 : index
      %get3A_422 = tpu.vector_load %arg10[%get3A, %get3A_421] {strides = array<i32>} : memref<8x64xf32, #tpu.memory_space<vmem>>, vector<16xf32>,
      %get3A_423 = arith.index_cast %sub3A_420 : i32 to index
      %get3A_424 = arith.constant 16 : index
      %get3A_425 = tpu.vector_load %arg10[%get3A_423, %get3A_424] {strides = array<i32>} : memref<8x64xf32, #tpu.memory_space<vmem>>, vector<16xf32>,
      %get3A_426 = arith.index_cast %sub3A_420 : i32 to index
      %get3A_427 = arith.constant 32 : index
      %get3A_428 = tpu.vector_load %arg10[%get3A_426, %get3A_427] {strides = array<i32>} : memref<8x64xf32, #tpu.memory_space<vmem>>, vector<16xf32>,
      %get3A_429 = arith.index_cast %sub3A_420 : i32 to index
      %get3A_430 = arith.constant 48 : index
      %get3A_431 = tpu.vector_load %arg10[%get3A_429, %get3A_430] {strides = array<i32>} : memref<8x64xf32, #tpu.memory_space<vmem>>, vector<16xf32>,
      %scan3A_432 = arith.constant 0 : i32
      %scan3A_433 = arith.constant 0 : i32
      %scan3A_434 = arith.constant 128 : i32
      %scan3A_435 = arith.addi %scan3A_433, %scan3A_434 : i32
      %scan3A_436 = arith.constant 8 : i32
      scf.for %scan3A_572 = %scan3A_433 to %scan3A_435 step %scan3A_436  : i32 {
        %mul3A_573 = arith.constant 65 : i32
        %mul3A_574 = arith.muli %scan3A_572, %mul3A_573 : i32
        %get3A_575 = arith.index_cast %rem3A_374 : i32 to index
        %get3A_576 = arith.index_cast %scan3A_572 : i32 to index
        %get3A_577 = arith.constant 0 : index
        %get3A_578 = tpu.vector_load %arg7[%get3A_575, %get3A_576, %get3A_577] {strides = array<i32>} : memref<5x128x64xf32, #tpu.memory_space<vmem>>, vector<16xf32>,
        %add3A_579 = arith.addf %get3A_578, %get3A_422 : vector<16xf32>
        %get3A_580 = arith.index_cast %rem3A_374 : i32 to index
        %get3A_581 = arith.index_cast %scan3A_572 : i32 to index
        %get3A_582 = arith.constant 16 : index
        %get3A_583 = tpu.vector_load %arg7[%get3A_580, %get3A_581, %get3A_582] {strides = array<i32>} : memref<5x128x64xf32, #tpu.memory_space<vmem>>, vector<16xf32>,
        %add3A_584 = arith.addf %get3A_583, %get3A_425 : vector<16xf32>
        %get3A_585 = arith.index_cast %rem3A_374 : i32 to index
        %get3A_586 = arith.index_cast %scan3A_572 : i32 to index
        %get3A_587 = arith.constant 32 : index
        %get3A_588 = tpu.vector_load %arg7[%get3A_585, %get3A_586, %get3A_587] {strides = array<i32>} : memref<5x128x64xf32, #tpu.memory_space<vmem>>, vector<16xf32>,
        %add3A_589 = arith.addf %get3A_588, %get3A_428 : vector<16xf32>
        %get3A_590 = arith.index_cast %rem3A_374 : i32 to index
        %get3A_591 = arith.index_cast %scan3A_572 : i32 to index
        %get3A_592 = arith.constant 48 : index
        %get3A_593 = tpu.vector_load %arg7[%get3A_590, %get3A_591, %get3A_592] {strides = array<i32>} : memref<5x128x64xf32, #tpu.memory_space<vmem>>, vector<16xf32>,
        %add3A_594 = arith.addf %get3A_593, %get3A_431 : vector<16xf32>
        %add3A_595 = arith.constant 0 : i32
        %add3A_596 = arith.addi %mul3A_574, %add3A_595 : i32
        %swap3A = arith.index_cast %add3A_596 : i32 to index
        %swap3A_597 = tpu.vector_load %arg8[%swap3A] {strides = array<i32>} : memref<8320xf32, #tpu.memory_space<vmem>>, vector<16xf32>,
        tpu.vector_store %arg8[%swap3A], %add3A_579 {strides = array<i32>} : memref<8320xf32, #tpu.memory_space<vmem>>, vector<16xf32>,
        %add3A_598 = arith.constant 16 : i32
        %add3A_599 = arith.addi %mul3A_574, %add3A_598 : i32
        %swap3A_600 = arith.index_cast %add3A_599 : i32 to index
        %swap3A_601 = tpu.vector_load %arg8[%swap3A_600] {strides = array<i32>} : memref<8320xf32, #tpu.memory_space<vmem>>, vector<16xf32>,
        tpu.vector_store %arg8[%swap3A_600], %add3A_584 {strides = array<i32>} : memref<8320xf32, #tpu.memory_space<vmem>>, vector<16xf32>,
        %add3A_602 = arith.constant 32 : i32
        %add3A_603 = arith.addi %mul3A_574, %add3A_602 : i32
        %swap3A_604 = arith.index_cast %add3A_603 : i32 to index
        %swap3A_605 = tpu.vector_load %arg8[%swap3A_604] {strides = array<i32>} : memref<8320xf32, #tpu.memory_space<vmem>>, vector<16xf32>,
        tpu.vector_store %arg8[%swap3A_604], %add3A_589 {strides = array<i32>} : memref<8320xf32, #tpu.memory_space<vmem>>, vector<16xf32>,
        %add3A_606 = arith.constant 48 : i32
        %add3A_607 = arith.addi %mul3A_574, %add3A_606 : i32
        %swap3A_608 = arith.index_cast %add3A_607 : i32 to index
        %swap3A_609 = tpu.vector_load %arg8[%swap3A_608] {strides = array<i32>} : memref<8320xf32, #tpu.memory_space<vmem>>, vector<16xf32>,
        tpu.vector_store %arg8[%swap3A_608], %add3A_594 {strides = array<i32>} : memref<8320xf32, #tpu.memory_space<vmem>>, vector<16xf32>,
        %scan3A_610 = arith.constant 1 : i32
        %scan3A_611 = arith.addi %scan3A_572, %scan3A_610 : i32
        %mul3A_612 = arith.constant 65 : i32
        %mul3A_613 = arith.muli %scan3A_611, %mul3A_612 : i32
        %get3A_614 = arith.index_cast %rem3A_374 : i32 to index
        %get3A_615 = arith.index_cast %scan3A_611 : i32 to index
        %get3A_616 = arith.constant 0 : index
        %get3A_617 = tpu.vector_load %arg7[%get3A_614, %get3A_615, %get3A_616] {strides = array<i32>} : memref<5x128x64xf32, #tpu.memory_space<vmem>>, vector<16xf32>,
        %add3A_618 = arith.addf %get3A_617, %get3A_422 : vector<16xf32>
        %get3A_619 = arith.index_cast %rem3A_374 : i32 to index
        %get3A_620 = arith.index_cast %scan3A_611 : i32 to index
        %get3A_621 = arith.constant 16 : index
        %get3A_622 = tpu.vector_load %arg7[%get3A_619, %get3A_620, %get3A_621] {strides = array<i32>} : memref<5x128x64xf32, #tpu.memory_space<vmem>>, vector<16xf32>,
        %add3A_623 = arith.addf %get3A_622, %get3A_425 : vector<16xf32>
        %get3A_624 = arith.index_cast %rem3A_374 : i32 to index
        %get3A_625 = arith.index_cast %scan3A_611 : i32 to index
        %get3A_626 = arith.constant 32 : index
        %get3A_627 = tpu.vector_load %arg7[%get3A_624, %get3A_625, %get3A_626] {strides = array<i32>} : memref<5x128x64xf32, #tpu.memory_space<vmem>>, vector<16xf32>,
        %add3A_628 = arith.addf %get3A_627, %get3A_428 : vector<16xf32>
        %get3A_629 = arith.index_cast %rem3A_374 : i32 to index
        %get3A_630 = arith.index_cast %scan3A_611 : i32 to index
        %get3A_631 = arith.constant 48 : index
        %get3A_632 = tpu.vector_load %arg7[%get3A_629, %get3A_630, %get3A_631] {strides = array<i32>} : memref<5x128x64xf32, #tpu.memory_space<vmem>>, vector<16xf32>,
        %add3A_633 = arith.addf %get3A_632, %get3A_431 : vector<16xf32>
        %add3A_634 = arith.constant 0 : i32
        %add3A_635 = arith.addi %mul3A_613, %add3A_634 : i32
        %swap3A_636 = arith.index_cast %add3A_635 : i32 to index
        %swap3A_637 = tpu.vector_load %arg8[%swap3A_636] {strides = array<i32>} : memref<8320xf32, #tpu.memory_space<vmem>>, vector<16xf32>,
        tpu.vector_store %arg8[%swap3A_636], %add3A_618 {strides = array<i32>} : memref<8320xf32, #tpu.memory_space<vmem>>, vector<16xf32>,
        %add3A_638 = arith.constant 16 : i32
        %add3A_639 = arith.addi %mul3A_613, %add3A_638 : i32
        %swap3A_640 = arith.index_cast %add3A_639 : i32 to index
        %swap3A_641 = tpu.vector_load %arg8[%swap3A_640] {strides = array<i32>} : memref<8320xf32, #tpu.memory_space<vmem>>, vector<16xf32>,
        tpu.vector_store %arg8[%swap3A_640], %add3A_623 {strides = array<i32>} : memref<8320xf32, #tpu.memory_space<vmem>>, vector<16xf32>,
        %add3A_642 = arith.constant 32 : i32
        %add3A_643 = arith.addi %mul3A_613, %add3A_642 : i32
        %swap3A_644 = arith.index_cast %add3A_643 : i32 to index
        %swap3A_645 = tpu.vector_load %arg8[%swap3A_644] {strides = array<i32>} : memref<8320xf32, #tpu.memory_space<vmem>>, vector<16xf32>,
        tpu.vector_store %arg8[%swap3A_644], %add3A_628 {strides = array<i32>} : memref<8320xf32, #tpu.memory_space<vmem>>, vector<16xf32>,
        %add3A_646 = arith.constant 48 : i32
        %add3A_647 = arith.addi %mul3A_613, %add3A_646 : i32
        %swap3A_648 = arith.index_cast %add3A_647 : i32 to index
        %swap3A_649 = tpu.vector_load %arg8[%swap3A_648] {strides = array<i32>} : memref<8320xf32, #tpu.memory_space<vmem>>, vector<16xf32>,
        tpu.vector_store %arg8[%swap3A_648], %add3A_633 {strides = array<i32>} : memref<8320xf32, #tpu.memory_space<vmem>>, vector<16xf32>,
        %scan3A_650 = arith.constant 2 : i32
        %scan3A_651 = arith.addi %scan3A_572, %scan3A_650 : i32
        %mul3A_652 = arith.constant 65 : i32
        %mul3A_653 = arith.muli %scan3A_651, %mul3A_652 : i32
        %get3A_654 = arith.index_cast %rem3A_374 : i32 to index
        %get3A_655 = arith.index_cast %scan3A_651 : i32 to index
        %get3A_656 = arith.constant 0 : index
        %get3A_657 = tpu.vector_load %arg7[%get3A_654, %get3A_655, %get3A_656] {strides = array<i32>} : memref<5x128x64xf32, #tpu.memory_space<vmem>>, vector<16xf32>,
        %add3A_658 = arith.addf %get3A_657, %get3A_422 : vector<16xf32>
        %get3A_659 = arith.index_cast %rem3A_374 : i32 to index
        %get3A_660 = arith.index_cast %scan3A_651 : i32 to index
        %get3A_661 = arith.constant 16 : index
        %get3A_662 = tpu.vector_load %arg7[%get3A_659, %get3A_660, %get3A_661] {strides = array<i32>} : memref<5x128x64xf32, #tpu.memory_space<vmem>>, vector<16xf32>,
        %add3A_663 = arith.addf %get3A_662, %get3A_425 : vector<16xf32>
        %get3A_664 = arith.index_cast %rem3A_374 : i32 to index
        %get3A_665 = arith.index_cast %scan3A_651 : i32 to index
        %get3A_666 = arith.constant 32 : index
        %get3A_667 = tpu.vector_load %arg7[%get3A_664, %get3A_665, %get3A_666] {strides = array<i32>} : memref<5x128x64xf32, #tpu.memory_space<vmem>>, vector<16xf32>,
        %add3A_668 = arith.addf %get3A_667, %get3A_428 : vector<16xf32>
        %get3A_669 = arith.index_cast %rem3A_374 : i32 to index
        %get3A_670 = arith.index_cast %scan3A_651 : i32 to index
        %get3A_671 = arith.constant 48 : index
        %get3A_672 = tpu.vector_load %arg7[%get3A_669, %get3A_670, %get3A_671] {strides = array<i32>} : memref<5x128x64xf32, #tpu.memory_space<vmem>>, vector<16xf32>,
        %add3A_673 = arith.addf %get3A_672, %get3A_431 : vector<16xf32>
        %add3A_674 = arith.constant 0 : i32
        %add3A_675 = arith.addi %mul3A_653, %add3A_674 : i32
        %swap3A_676 = arith.index_cast %add3A_675 : i32 to index
        %swap3A_677 = tpu.vector_load %arg8[%swap3A_676] {strides = array<i32>} : memref<8320xf32, #tpu.memory_space<vmem>>, vector<16xf32>,
        tpu.vector_store %arg8[%swap3A_676], %add3A_658 {strides = array<i32>} : memref<8320xf32, #tpu.memory_space<vmem>>, vector<16xf32>,
        %add3A_678 = arith.constant 16 : i32
        %add3A_679 = arith.addi %mul3A_653, %add3A_678 : i32
        %swap3A_680 = arith.index_cast %add3A_679 : i32 to index
        %swap3A_681 = tpu.vector_load %arg8[%swap3A_680] {strides = array<i32>} : memref<8320xf32, #tpu.memory_space<vmem>>, vector<16xf32>,
        tpu.vector_store %arg8[%swap3A_680], %add3A_663 {strides = array<i32>} : memref<8320xf32, #tpu.memory_space<vmem>>, vector<16xf32>,
        %add3A_682 = arith.constant 32 : i32
        %add3A_683 = arith.addi %mul3A_653, %add3A_682 : i32
        %swap3A_684 = arith.index_cast %add3A_683 : i32 to index
        %swap3A_685 = tpu.vector_load %arg8[%swap3A_684] {strides = array<i32>} : memref<8320xf32, #tpu.memory_space<vmem>>, vector<16xf32>,
        tpu.vector_store %arg8[%swap3A_684], %add3A_668 {strides = array<i32>} : memref<8320xf32, #tpu.memory_space<vmem>>, vector<16xf32>,
        %add3A_686 = arith.constant 48 : i32
        %add3A_687 = arith.addi %mul3A_653, %add3A_686 : i32
        %swap3A_688 = arith.index_cast %add3A_687 : i32 to index
        %swap3A_689 = tpu.vector_load %arg8[%swap3A_688] {strides = array<i32>} : memref<8320xf32, #tpu.memory_space<vmem>>, vector<16xf32>,
        tpu.vector_store %arg8[%swap3A_688], %add3A_673 {strides = array<i32>} : memref<8320xf32, #tpu.memory_space<vmem>>, vector<16xf32>,
        %scan3A_690 = arith.constant 3 : i32
        %scan3A_691 = arith.addi %scan3A_572, %scan3A_690 : i32
        %mul3A_692 = arith.constant 65 : i32
        %mul3A_693 = arith.muli %scan3A_691, %mul3A_692 : i32
        %get3A_694 = arith.index_cast %rem3A_374 : i32 to index
        %get3A_695 = arith.index_cast %scan3A_691 : i32 to index
        %get3A_696 = arith.constant 0 : index
        %get3A_697 = tpu.vector_load %arg7[%get3A_694, %get3A_695, %get3A_696] {strides = array<i32>} : memref<5x128x64xf32, #tpu.memory_space<vmem>>, vector<16xf32>,
        %add3A_698 = arith.addf %get3A_697, %get3A_422 : vector<16xf32>
        %get3A_699 = arith.index_cast %rem3A_374 : i32 to index
        %get3A_700 = arith.index_cast %scan3A_691 : i32 to index
        %get3A_701 = arith.constant 16 : index
        %get3A_702 = tpu.vector_load %arg7[%get3A_699, %get3A_700, %get3A_701] {strides = array<i32>} : memref<5x128x64xf32, #tpu.memory_space<vmem>>, vector<16xf32>,
        %add3A_703 = arith.addf %get3A_702, %get3A_425 : vector<16xf32>
        %get3A_704 = arith.index_cast %rem3A_374 : i32 to index
        %get3A_705 = arith.index_cast %scan3A_691 : i32 to index
        %get3A_706 = arith.constant 32 : index
        %get3A_707 = tpu.vector_load %arg7[%get3A_704, %get3A_705, %get3A_706] {strides = array<i32>} : memref<5x128x64xf32, #tpu.memory_space<vmem>>, vector<16xf32>,
        %add3A_708 = arith.addf %get3A_707, %get3A_428 : vector<16xf32>
        %get3A_709 = arith.index_cast %rem3A_374 : i32 to index
        %get3A_710 = arith.index_cast %scan3A_691 : i32 to index
        %get3A_711 = arith.constant 48 : index
        %get3A_712 = tpu.vector_load %arg7[%get3A_709, %get3A_710, %get3A_711] {strides = array<i32>} : memref<5x128x64xf32, #tpu.memory_space<vmem>>, vector<16xf32>,
        %add3A_713 = arith.addf %get3A_712, %get3A_431 : vector<16xf32>
        %add3A_714 = arith.constant 0 : i32
        %add3A_715 = arith.addi %mul3A_693, %add3A_714 : i32
        %swap3A_716 = arith.index_cast %add3A_715 : i32 to index
        %swap3A_717 = tpu.vector_load %arg8[%swap3A_716] {strides = array<i32>} : memref<8320xf32, #tpu.memory_space<vmem>>, vector<16xf32>,
        tpu.vector_store %arg8[%swap3A_716], %add3A_698 {strides = array<i32>} : memref<8320xf32, #tpu.memory_space<vmem>>, vector<16xf32>,
        %add3A_718 = arith.constant 16 : i32
        %add3A_719 = arith.addi %mul3A_693, %add3A_718 : i32
        %swap3A_720 = arith.index_cast %add3A_719 : i32 to index
        %swap3A_721 = tpu.vector_load %arg8[%swap3A_720] {strides = array<i32>} : memref<8320xf32, #tpu.memory_space<vmem>>, vector<16xf32>,
        tpu.vector_store %arg8[%swap3A_720], %add3A_703 {strides = array<i32>} : memref<8320xf32, #tpu.memory_space<vmem>>, vector<16xf32>,
        %add3A_722 = arith.constant 32 : i32
        %add3A_723 = arith.addi %mul3A_693, %add3A_722 : i32
        %swap3A_724 = arith.index_cast %add3A_723 : i32 to index
        %swap3A_725 = tpu.vector_load %arg8[%swap3A_724] {strides = array<i32>} : memref<8320xf32, #tpu.memory_space<vmem>>, vector<16xf32>,
        tpu.vector_store %arg8[%swap3A_724], %add3A_708 {strides = array<i32>} : memref<8320xf32, #tpu.memory_space<vmem>>, vector<16xf32>,
        %add3A_726 = arith.constant 48 : i32
        %add3A_727 = arith.addi %mul3A_693, %add3A_726 : i32
        %swap3A_728 = arith.index_cast %add3A_727 : i32 to index
        %swap3A_729 = tpu.vector_load %arg8[%swap3A_728] {strides = array<i32>} : memref<8320xf32, #tpu.memory_space<vmem>>, vector<16xf32>,
        tpu.vector_store %arg8[%swap3A_728], %add3A_713 {strides = array<i32>} : memref<8320xf32, #tpu.memory_space<vmem>>, vector<16xf32>,
        %scan3A_730 = arith.constant 4 : i32
        %scan3A_731 = arith.addi %scan3A_572, %scan3A_730 : i32
        %mul3A_732 = arith.constant 65 : i32
        %mul3A_733 = arith.muli %scan3A_731, %mul3A_732 : i32
        %get3A_734 = arith.index_cast %rem3A_374 : i32 to index
        %get3A_735 = arith.index_cast %scan3A_731 : i32 to index
        %get3A_736 = arith.constant 0 : index
        %get3A_737 = tpu.vector_load %arg7[%get3A_734, %get3A_735, %get3A_736] {strides = array<i32>} : memref<5x128x64xf32, #tpu.memory_space<vmem>>, vector<16xf32>,
        %add3A_738 = arith.addf %get3A_737, %get3A_422 : vector<16xf32>
        %get3A_739 = arith.index_cast %rem3A_374 : i32 to index
        %get3A_740 = arith.index_cast %scan3A_731 : i32 to index
        %get3A_741 = arith.constant 16 : index
        %get3A_742 = tpu.vector_load %arg7[%get3A_739, %get3A_740, %get3A_741] {strides = array<i32>} : memref<5x128x64xf32, #tpu.memory_space<vmem>>, vector<16xf32>,
        %add3A_743 = arith.addf %get3A_742, %get3A_425 : vector<16xf32>
        %get3A_744 = arith.index_cast %rem3A_374 : i32 to index
        %get3A_745 = arith.index_cast %scan3A_731 : i32 to index
        %get3A_746 = arith.constant 32 : index
        %get3A_747 = tpu.vector_load %arg7[%get3A_744, %get3A_745, %get3A_746] {strides = array<i32>} : memref<5x128x64xf32, #tpu.memory_space<vmem>>, vector<16xf32>,
        %add3A_748 = arith.addf %get3A_747, %get3A_428 : vector<16xf32>
        %get3A_749 = arith.index_cast %rem3A_374 : i32 to index
        %get3A_750 = arith.index_cast %scan3A_731 : i32 to index
        %get3A_751 = arith.constant 48 : index
        %get3A_752 = tpu.vector_load %arg7[%get3A_749, %get3A_750, %get3A_751] {strides = array<i32>} : memref<5x128x64xf32, #tpu.memory_space<vmem>>, vector<16xf32>,
        %add3A_753 = arith.addf %get3A_752, %get3A_431 : vector<16xf32>
        %add3A_754 = arith.constant 0 : i32
        %add3A_755 = arith.addi %mul3A_733, %add3A_754 : i32
        %swap3A_756 = arith.index_cast %add3A_755 : i32 to index
        %swap3A_757 = tpu.vector_load %arg8[%swap3A_756] {strides = array<i32>} : memref<8320xf32, #tpu.memory_space<vmem>>, vector<16xf32>,
        tpu.vector_store %arg8[%swap3A_756], %add3A_738 {strides = array<i32>} : memref<8320xf32, #tpu.memory_space<vmem>>, vector<16xf32>,
        %add3A_758 = arith.constant 16 : i32
        %add3A_759 = arith.addi %mul3A_733, %add3A_758 : i32
        %swap3A_760 = arith.index_cast %add3A_759 : i32 to index
        %swap3A_761 = tpu.vector_load %arg8[%swap3A_760] {strides = array<i32>} : memref<8320xf32, #tpu.memory_space<vmem>>, vector<16xf32>,
        tpu.vector_store %arg8[%swap3A_760], %add3A_743 {strides = array<i32>} : memref<8320xf32, #tpu.memory_space<vmem>>, vector<16xf32>,
        %add3A_762 = arith.constant 32 : i32
        %add3A_763 = arith.addi %mul3A_733, %add3A_762 : i32
        %swap3A_764 = arith.index_cast %add3A_763 : i32 to index
        %swap3A_765 = tpu.vector_load %arg8[%swap3A_764] {strides = array<i32>} : memref<8320xf32, #tpu.memory_space<vmem>>, vector<16xf32>,
        tpu.vector_store %arg8[%swap3A_764], %add3A_748 {strides = array<i32>} : memref<8320xf32, #tpu.memory_space<vmem>>, vector<16xf32>,
        %add3A_766 = arith.constant 48 : i32
        %add3A_767 = arith.addi %mul3A_733, %add3A_766 : i32
        %swap3A_768 = arith.index_cast %add3A_767 : i32 to index
        %swap3A_769 = tpu.vector_load %arg8[%swap3A_768] {strides = array<i32>} : memref<8320xf32, #tpu.memory_space<vmem>>, vector<16xf32>,
        tpu.vector_store %arg8[%swap3A_768], %add3A_753 {strides = array<i32>} : memref<8320xf32, #tpu.memory_space<vmem>>, vector<16xf32>,
        %scan3A_770 = arith.constant 5 : i32
        %scan3A_771 = arith.addi %scan3A_572, %scan3A_770 : i32
        %mul3A_772 = arith.constant 65 : i32
        %mul3A_773 = arith.muli %scan3A_771, %mul3A_772 : i32
        %get3A_774 = arith.index_cast %rem3A_374 : i32 to index
        %get3A_775 = arith.index_cast %scan3A_771 : i32 to index
        %get3A_776 = arith.constant 0 : index
        %get3A_777 = tpu.vector_load %arg7[%get3A_774, %get3A_775, %get3A_776] {strides = array<i32>} : memref<5x128x64xf32, #tpu.memory_space<vmem>>, vector<16xf32>,
        %add3A_778 = arith.addf %get3A_777, %get3A_422 : vector<16xf32>
        %get3A_779 = arith.index_cast %rem3A_374 : i32 to index
        %get3A_780 = arith.index_cast %scan3A_771 : i32 to index
        %get3A_781 = arith.constant 16 : index
        %get3A_782 = tpu.vector_load %arg7[%get3A_779, %get3A_780, %get3A_781] {strides = array<i32>} : memref<5x128x64xf32, #tpu.memory_space<vmem>>, vector<16xf32>,
        %add3A_783 = arith.addf %get3A_782, %get3A_425 : vector<16xf32>
        %get3A_784 = arith.index_cast %rem3A_374 : i32 to index
        %get3A_785 = arith.index_cast %scan3A_771 : i32 to index
        %get3A_786 = arith.constant 32 : index
        %get3A_787 = tpu.vector_load %arg7[%get3A_784, %get3A_785, %get3A_786] {strides = array<i32>} : memref<5x128x64xf32, #tpu.memory_space<vmem>>, vector<16xf32>,
        %add3A_788 = arith.addf %get3A_787, %get3A_428 : vector<16xf32>
        %get3A_789 = arith.index_cast %rem3A_374 : i32 to index
        %get3A_790 = arith.index_cast %scan3A_771 : i32 to index
        %get3A_791 = arith.constant 48 : index
        %get3A_792 = tpu.vector_load %arg7[%get3A_789, %get3A_790, %get3A_791] {strides = array<i32>} : memref<5x128x64xf32, #tpu.memory_space<vmem>>, vector<16xf32>,
        %add3A_793 = arith.addf %get3A_792, %get3A_431 : vector<16xf32>
        %add3A_794 = arith.constant 0 : i32
        %add3A_795 = arith.addi %mul3A_773, %add3A_794 : i32
        %swap3A_796 = arith.index_cast %add3A_795 : i32 to index
        %swap3A_797 = tpu.vector_load %arg8[%swap3A_796] {strides = array<i32>} : memref<8320xf32, #tpu.memory_space<vmem>>, vector<16xf32>,
        tpu.vector_store %arg8[%swap3A_796], %add3A_778 {strides = array<i32>} : memref<8320xf32, #tpu.memory_space<vmem>>, vector<16xf32>,
        %add3A_798 = arith.constant 16 : i32
        %add3A_799 = arith.addi %mul3A_773, %add3A_798 : i32
        %swap3A_800 = arith.index_cast %add3A_799 : i32 to index
        %swap3A_801 = tpu.vector_load %arg8[%swap3A_800] {strides = array<i32>} : memref<8320xf32, #tpu.memory_space<vmem>>, vector<16xf32>,
        tpu.vector_store %arg8[%swap3A_800], %add3A_783 {strides = array<i32>} : memref<8320xf32, #tpu.memory_space<vmem>>, vector<16xf32>,
        %add3A_802 = arith.constant 32 : i32
        %add3A_803 = arith.addi %mul3A_773, %add3A_802 : i32
        %swap3A_804 = arith.index_cast %add3A_803 : i32 to index
        %swap3A_805 = tpu.vector_load %arg8[%swap3A_804] {strides = array<i32>} : memref<8320xf32, #tpu.memory_space<vmem>>, vector<16xf32>,
        tpu.vector_store %arg8[%swap3A_804], %add3A_788 {strides = array<i32>} : memref<8320xf32, #tpu.memory_space<vmem>>, vector<16xf32>,
        %add3A_806 = arith.constant 48 : i32
        %add3A_807 = arith.addi %mul3A_773, %add3A_806 : i32
        %swap3A_808 = arith.index_cast %add3A_807 : i32 to index
        %swap3A_809 = tpu.vector_load %arg8[%swap3A_808] {strides = array<i32>} : memref<8320xf32, #tpu.memory_space<vmem>>, vector<16xf32>,
        tpu.vector_store %arg8[%swap3A_808], %add3A_793 {strides = array<i32>} : memref<8320xf32, #tpu.memory_space<vmem>>, vector<16xf32>,
        %scan3A_810 = arith.constant 6 : i32
        %scan3A_811 = arith.addi %scan3A_572, %scan3A_810 : i32
        %mul3A_812 = arith.constant 65 : i32
        %mul3A_813 = arith.muli %scan3A_811, %mul3A_812 : i32
        %get3A_814 = arith.index_cast %rem3A_374 : i32 to index
        %get3A_815 = arith.index_cast %scan3A_811 : i32 to index
        %get3A_816 = arith.constant 0 : index
        %get3A_817 = tpu.vector_load %arg7[%get3A_814, %get3A_815, %get3A_816] {strides = array<i32>} : memref<5x128x64xf32, #tpu.memory_space<vmem>>, vector<16xf32>,
        %add3A_818 = arith.addf %get3A_817, %get3A_422 : vector<16xf32>
        %get3A_819 = arith.index_cast %rem3A_374 : i32 to index
        %get3A_820 = arith.index_cast %scan3A_811 : i32 to index
        %get3A_821 = arith.constant 16 : index
        %get3A_822 = tpu.vector_load %arg7[%get3A_819, %get3A_820, %get3A_821] {strides = array<i32>} : memref<5x128x64xf32, #tpu.memory_space<vmem>>, vector<16xf32>,
        %add3A_823 = arith.addf %get3A_822, %get3A_425 : vector<16xf32>
        %get3A_824 = arith.index_cast %rem3A_374 : i32 to index
        %get3A_825 = arith.index_cast %scan3A_811 : i32 to index
        %get3A_826 = arith.constant 32 : index
        %get3A_827 = tpu.vector_load %arg7[%get3A_824, %get3A_825, %get3A_826] {strides = array<i32>} : memref<5x128x64xf32, #tpu.memory_space<vmem>>, vector<16xf32>,
        %add3A_828 = arith.addf %get3A_827, %get3A_428 : vector<16xf32>
        %get3A_829 = arith.index_cast %rem3A_374 : i32 to index
        %get3A_830 = arith.index_cast %scan3A_811 : i32 to index
        %get3A_831 = arith.constant 48 : index
        %get3A_832 = tpu.vector_load %arg7[%get3A_829, %get3A_830, %get3A_831] {strides = array<i32>} : memref<5x128x64xf32, #tpu.memory_space<vmem>>, vector<16xf32>,
        %add3A_833 = arith.addf %get3A_832, %get3A_431 : vector<16xf32>
        %add3A_834 = arith.constant 0 : i32
        %add3A_835 = arith.addi %mul3A_813, %add3A_834 : i32
        %swap3A_836 = arith.index_cast %add3A_835 : i32 to index
        %swap3A_837 = tpu.vector_load %arg8[%swap3A_836] {strides = array<i32>} : memref<8320xf32, #tpu.memory_space<vmem>>, vector<16xf32>,
        tpu.vector_store %arg8[%swap3A_836], %add3A_818 {strides = array<i32>} : memref<8320xf32, #tpu.memory_space<vmem>>, vector<16xf32>,
        %add3A_838 = arith.constant 16 : i32
        %add3A_839 = arith.addi %mul3A_813, %add3A_838 : i32
        %swap3A_840 = arith.index_cast %add3A_839 : i32 to index
        %swap3A_841 = tpu.vector_load %arg8[%swap3A_840] {strides = array<i32>} : memref<8320xf32, #tpu.memory_space<vmem>>, vector<16xf32>,
        tpu.vector_store %arg8[%swap3A_840], %add3A_823 {strides = array<i32>} : memref<8320xf32, #tpu.memory_space<vmem>>, vector<16xf32>,
        %add3A_842 = arith.constant 32 : i32
        %add3A_843 = arith.addi %mul3A_813, %add3A_842 : i32
        %swap3A_844 = arith.index_cast %add3A_843 : i32 to index
        %swap3A_845 = tpu.vector_load %arg8[%swap3A_844] {strides = array<i32>} : memref<8320xf32, #tpu.memory_space<vmem>>, vector<16xf32>,
        tpu.vector_store %arg8[%swap3A_844], %add3A_828 {strides = array<i32>} : memref<8320xf32, #tpu.memory_space<vmem>>, vector<16xf32>,
        %add3A_846 = arith.constant 48 : i32
        %add3A_847 = arith.addi %mul3A_813, %add3A_846 : i32
        %swap3A_848 = arith.index_cast %add3A_847 : i32 to index
        %swap3A_849 = tpu.vector_load %arg8[%swap3A_848] {strides = array<i32>} : memref<8320xf32, #tpu.memory_space<vmem>>, vector<16xf32>,
        tpu.vector_store %arg8[%swap3A_848], %add3A_833 {strides = array<i32>} : memref<8320xf32, #tpu.memory_space<vmem>>, vector<16xf32>,
        %scan3A_850 = arith.constant 7 : i32
        %scan3A_851 = arith.addi %scan3A_572, %scan3A_850 : i32
        %mul3A_852 = arith.constant 65 : i32
        %mul3A_853 = arith.muli %scan3A_851, %mul3A_852 : i32
        %get3A_854 = arith.index_cast %rem3A_374 : i32 to index
        %get3A_855 = arith.index_cast %scan3A_851 : i32 to index
        %get3A_856 = arith.constant 0 : index
        %get3A_857 = tpu.vector_load %arg7[%get3A_854, %get3A_855, %get3A_856] {strides = array<i32>} : memref<5x128x64xf32, #tpu.memory_space<vmem>>, vector<16xf32>,
        %add3A_858 = arith.addf %get3A_857, %get3A_422 : vector<16xf32>
        %get3A_859 = arith.index_cast %rem3A_374 : i32 to index
        %get3A_860 = arith.index_cast %scan3A_851 : i32 to index
        %get3A_861 = arith.constant 16 : index
        %get3A_862 = tpu.vector_load %arg7[%get3A_859, %get3A_860, %get3A_861] {strides = array<i32>} : memref<5x128x64xf32, #tpu.memory_space<vmem>>, vector<16xf32>,
        %add3A_863 = arith.addf %get3A_862, %get3A_425 : vector<16xf32>
        %get3A_864 = arith.index_cast %rem3A_374 : i32 to index
        %get3A_865 = arith.index_cast %scan3A_851 : i32 to index
        %get3A_866 = arith.constant 32 : index
        %get3A_867 = tpu.vector_load %arg7[%get3A_864, %get3A_865, %get3A_866] {strides = array<i32>} : memref<5x128x64xf32, #tpu.memory_space<vmem>>, vector<16xf32>,
        %add3A_868 = arith.addf %get3A_867, %get3A_428 : vector<16xf32>
        %get3A_869 = arith.index_cast %rem3A_374 : i32 to index
        %get3A_870 = arith.index_cast %scan3A_851 : i32 to index
        %get3A_871 = arith.constant 48 : index
        %get3A_872 = tpu.vector_load %arg7[%get3A_869, %get3A_870, %get3A_871] {strides = array<i32>} : memref<5x128x64xf32, #tpu.memory_space<vmem>>, vector<16xf32>,
        %add3A_873 = arith.addf %get3A_872, %get3A_431 : vector<16xf32>
        %add3A_874 = arith.constant 0 : i32
        %add3A_875 = arith.addi %mul3A_853, %add3A_874 : i32
        %swap3A_876 = arith.index_cast %add3A_875 : i32 to index
        %swap3A_877 = tpu.vector_load %arg8[%swap3A_876] {strides = array<i32>} : memref<8320xf32, #tpu.memory_space<vmem>>, vector<16xf32>,
        tpu.vector_store %arg8[%swap3A_876], %add3A_858 {strides = array<i32>} : memref<8320xf32, #tpu.memory_space<vmem>>, vector<16xf32>,
        %add3A_878 = arith.constant 16 : i32
        %add3A_879 = arith.addi %mul3A_853, %add3A_878 : i32
        %swap3A_880 = arith.index_cast %add3A_879 : i32 to index
        %swap3A_881 = tpu.vector_load %arg8[%swap3A_880] {strides = array<i32>} : memref<8320xf32, #tpu.memory_space<vmem>>, vector<16xf32>,
        tpu.vector_store %arg8[%swap3A_880], %add3A_863 {strides = array<i32>} : memref<8320xf32, #tpu.memory_space<vmem>>, vector<16xf32>,
        %add3A_882 = arith.constant 32 : i32
        %add3A_883 = arith.addi %mul3A_853, %add3A_882 : i32
        %swap3A_884 = arith.index_cast %add3A_883 : i32 to index
        %swap3A_885 = tpu.vector_load %arg8[%swap3A_884] {strides = array<i32>} : memref<8320xf32, #tpu.memory_space<vmem>>, vector<16xf32>,
        tpu.vector_store %arg8[%swap3A_884], %add3A_868 {strides = array<i32>} : memref<8320xf32, #tpu.memory_space<vmem>>, vector<16xf32>,
        %add3A_886 = arith.constant 48 : i32
        %add3A_887 = arith.addi %mul3A_853, %add3A_886 : i32
        %swap3A_888 = arith.index_cast %add3A_887 : i32 to index
        %swap3A_889 = tpu.vector_load %arg8[%swap3A_888] {strides = array<i32>} : memref<8320xf32, #tpu.memory_space<vmem>>, vector<16xf32>,
        tpu.vector_store %arg8[%swap3A_888], %add3A_873 {strides = array<i32>} : memref<8320xf32, #tpu.memory_space<vmem>>, vector<16xf32>,
      }
      %scan3A_437 = arith.constant 128 : i32
      %scan3A_438 = arith.constant 0 : i32
      %scan3A_439 = arith.constant 0 : i32
      %scan3A_440 = arith.constant 64 : i32
      %scan3A_441 = arith.addi %scan3A_439, %scan3A_440 : i32
      %scan3A_442 = arith.constant 2 : i32
      scf.for %scan3A_572 = %scan3A_439 to %scan3A_441 step %scan3A_442  : i32 {
        %broadcast_in_dim3A = vector.broadcast %scan3A_572 : i32 to vector<16xi32>
        %mul3A_573 = arith.constant 128 : i32
        %mul3A_574 = arith.muli %scan3A_572, %mul3A_573 : i32
        %add3A_575 = arith.addi %mul3A_49, %broadcast_in_dim3A : vector<16xi32>
        %gather3A = tpu.vector_load_idx %arg8[%add3A_575] : memref<8320xf32, #tpu.memory_space<vmem>>[vector<16xi32>], vector<16xf32>,
        %add3A_576 = arith.addi %mul3A_55, %broadcast_in_dim3A : vector<16xi32>
        %gather3A_577 = tpu.vector_load_idx %arg8[%add3A_576] : memref<8320xf32, #tpu.memory_space<vmem>>[vector<16xi32>], vector<16xf32>,
        %add3A_578 = arith.addi %mul3A_61, %broadcast_in_dim3A : vector<16xi32>
        %gather3A_579 = tpu.vector_load_idx %arg8[%add3A_578] : memref<8320xf32, #tpu.memory_space<vmem>>[vector<16xi32>], vector<16xf32>,
        %add3A_580 = arith.addi %mul3A_67, %broadcast_in_dim3A : vector<16xi32>
        %gather3A_581 = tpu.vector_load_idx %arg8[%add3A_580] : memref<8320xf32, #tpu.memory_space<vmem>>[vector<16xi32>], vector<16xf32>,
        %add3A_582 = arith.addi %mul3A_73, %broadcast_in_dim3A : vector<16xi32>
        %gather3A_583 = tpu.vector_load_idx %arg8[%add3A_582] : memref<8320xf32, #tpu.memory_space<vmem>>[vector<16xi32>], vector<16xf32>,
        %add3A_584 = arith.addi %mul3A_79, %broadcast_in_dim3A : vector<16xi32>
        %gather3A_585 = tpu.vector_load_idx %arg8[%add3A_584] : memref<8320xf32, #tpu.memory_space<vmem>>[vector<16xi32>], vector<16xf32>,
        %add3A_586 = arith.addi %mul3A_85, %broadcast_in_dim3A : vector<16xi32>
        %gather3A_587 = tpu.vector_load_idx %arg8[%add3A_586] : memref<8320xf32, #tpu.memory_space<vmem>>[vector<16xi32>], vector<16xf32>,
        %add3A_588 = arith.addi %mul3A_91, %broadcast_in_dim3A : vector<16xi32>
        %gather3A_589 = tpu.vector_load_idx %arg8[%add3A_588] : memref<8320xf32, #tpu.memory_space<vmem>>[vector<16xi32>], vector<16xf32>,
        %add3A_590 = arith.constant 0 : i32
        %add3A_591 = arith.addi %mul3A_574, %add3A_590 : i32
        %swap3A = arith.index_cast %rem3A_374 : i32 to index
        %swap3A_592 = arith.index_cast %add3A_591 : i32 to index
        %swap3A_593 = tpu.vector_load %arg9[%swap3A, %swap3A_592] {strides = array<i32>} : memref<5x8192xf32, #tpu.memory_space<vmem>>, vector<16xf32>,
        tpu.vector_store %arg9[%swap3A, %swap3A_592], %gather3A {strides = array<i32>} : memref<5x8192xf32, #tpu.memory_space<vmem>>, vector<16xf32>,
        %add3A_594 = arith.constant 16 : i32
        %add3A_595 = arith.addi %mul3A_574, %add3A_594 : i32
        %swap3A_596 = arith.index_cast %rem3A_374 : i32 to index
        %swap3A_597 = arith.index_cast %add3A_595 : i32 to index
        %swap3A_598 = tpu.vector_load %arg9[%swap3A_596, %swap3A_597] {strides = array<i32>} : memref<5x8192xf32, #tpu.memory_space<vmem>>, vector<16xf32>,
        tpu.vector_store %arg9[%swap3A_596, %swap3A_597], %gather3A_577 {strides = array<i32>} : memref<5x8192xf32, #tpu.memory_space<vmem>>, vector<16xf32>,
        %add3A_599 = arith.constant 32 : i32
        %add3A_600 = arith.addi %mul3A_574, %add3A_599 : i32
        %swap3A_601 = arith.index_cast %rem3A_374 : i32 to index
        %swap3A_602 = arith.index_cast %add3A_600 : i32 to index
        %swap3A_603 = tpu.vector_load %arg9[%swap3A_601, %swap3A_602] {strides = array<i32>} : memref<5x8192xf32, #tpu.memory_space<vmem>>, vector<16xf32>,
        tpu.vector_store %arg9[%swap3A_601, %swap3A_602], %gather3A_579 {strides = array<i32>} : memref<5x8192xf32, #tpu.memory_space<vmem>>, vector<16xf32>,
        %add3A_604 = arith.constant 48 : i32
        %add3A_605 = arith.addi %mul3A_574, %add3A_604 : i32
        %swap3A_606 = arith.index_cast %rem3A_374 : i32 to index
        %swap3A_607 = arith.index_cast %add3A_605 : i32 to index
        %swap3A_608 = tpu.vector_load %arg9[%swap3A_606, %swap3A_607] {strides = array<i32>} : memref<5x8192xf32, #tpu.memory_space<vmem>>, vector<16xf32>,
        tpu.vector_store %arg9[%swap3A_606, %swap3A_607], %gather3A_581 {strides = array<i32>} : memref<5x8192xf32, #tpu.memory_space<vmem>>, vector<16xf32>,
        %add3A_609 = arith.constant 64 : i32
        %add3A_610 = arith.addi %mul3A_574, %add3A_609 : i32
        %swap3A_611 = arith.index_cast %rem3A_374 : i32 to index
        %swap3A_612 = arith.index_cast %add3A_610 : i32 to index
        %swap3A_613 = tpu.vector_load %arg9[%swap3A_611, %swap3A_612] {strides = array<i32>} : memref<5x8192xf32, #tpu.memory_space<vmem>>, vector<16xf32>,
        tpu.vector_store %arg9[%swap3A_611, %swap3A_612], %gather3A_583 {strides = array<i32>} : memref<5x8192xf32, #tpu.memory_space<vmem>>, vector<16xf32>,
        %add3A_614 = arith.constant 80 : i32
        %add3A_615 = arith.addi %mul3A_574, %add3A_614 : i32
        %swap3A_616 = arith.index_cast %rem3A_374 : i32 to index
        %swap3A_617 = arith.index_cast %add3A_615 : i32 to index
        %swap3A_618 = tpu.vector_load %arg9[%swap3A_616, %swap3A_617] {strides = array<i32>} : memref<5x8192xf32, #tpu.memory_space<vmem>>, vector<16xf32>,
        tpu.vector_store %arg9[%swap3A_616, %swap3A_617], %gather3A_585 {strides = array<i32>} : memref<5x8192xf32, #tpu.memory_space<vmem>>, vector<16xf32>,
        %add3A_619 = arith.constant 96 : i32
        %add3A_620 = arith.addi %mul3A_574, %add3A_619 : i32
        %swap3A_621 = arith.index_cast %rem3A_374 : i32 to index
        %swap3A_622 = arith.index_cast %add3A_620 : i32 to index
        %swap3A_623 = tpu.vector_load %arg9[%swap3A_621, %swap3A_622] {strides = array<i32>} : memref<5x8192xf32, #tpu.memory_space<vmem>>, vector<16xf32>,
        tpu.vector_store %arg9[%swap3A_621, %swap3A_622], %gather3A_587 {strides = array<i32>} : memref<5x8192xf32, #tpu.memory_space<vmem>>, vector<16xf32>,
        %add3A_624 = arith.constant 112 : i32
        %add3A_625 = arith.addi %mul3A_574, %add3A_624 : i32
        %swap3A_626 = arith.index_cast %rem3A_374 : i32 to index
        %swap3A_627 = arith.index_cast %add3A_625 : i32 to index
        %swap3A_628 = tpu.vector_load %arg9[%swap3A_626, %swap3A_627] {strides = array<i32>} : memref<5x8192xf32, #tpu.memory_space<vmem>>, vector<16xf32>,
        tpu.vector_store %arg9[%swap3A_626, %swap3A_627], %gather3A_589 {strides = array<i32>} : memref<5x8192xf32, #tpu.memory_space<vmem>>, vector<16xf32>,
        %scan3A_629 = arith.constant 1 : i32
        %scan3A_630 = arith.addi %scan3A_572, %scan3A_629 : i32
        %broadcast_in_dim3A_631 = vector.broadcast %scan3A_630 : i32 to vector<16xi32>
        %mul3A_632 = arith.constant 128 : i32
        %mul3A_633 = arith.muli %scan3A_630, %mul3A_632 : i32
        %add3A_634 = arith.addi %mul3A_49, %broadcast_in_dim3A_631 : vector<16xi32>
        %gather3A_635 = tpu.vector_load_idx %arg8[%add3A_634] : memref<8320xf32, #tpu.memory_space<vmem>>[vector<16xi32>], vector<16xf32>,
        %add3A_636 = arith.addi %mul3A_55, %broadcast_in_dim3A_631 : vector<16xi32>
        %gather3A_637 = tpu.vector_load_idx %arg8[%add3A_636] : memref<8320xf32, #tpu.memory_space<vmem>>[vector<16xi32>], vector<16xf32>,
        %add3A_638 = arith.addi %mul3A_61, %broadcast_in_dim3A_631 : vector<16xi32>
        %gather3A_639 = tpu.vector_load_idx %arg8[%add3A_638] : memref<8320xf32, #tpu.memory_space<vmem>>[vector<16xi32>], vector<16xf32>,
        %add3A_640 = arith.addi %mul3A_67, %broadcast_in_dim3A_631 : vector<16xi32>
        %gather3A_641 = tpu.vector_load_idx %arg8[%add3A_640] : memref<8320xf32, #tpu.memory_space<vmem>>[vector<16xi32>], vector<16xf32>,
        %add3A_642 = arith.addi %mul3A_73, %broadcast_in_dim3A_631 : vector<16xi32>
        %gather3A_643 = tpu.vector_load_idx %arg8[%add3A_642] : memref<8320xf32, #tpu.memory_space<vmem>>[vector<16xi32>], vector<16xf32>,
        %add3A_644 = arith.addi %mul3A_79, %broadcast_in_dim3A_631 : vector<16xi32>
        %gather3A_645 = tpu.vector_load_idx %arg8[%add3A_644] : memref<8320xf32, #tpu.memory_space<vmem>>[vector<16xi32>], vector<16xf32>,
        %add3A_646 = arith.addi %mul3A_85, %broadcast_in_dim3A_631 : vector<16xi32>
        %gather3A_647 = tpu.vector_load_idx %arg8[%add3A_646] : memref<8320xf32, #tpu.memory_space<vmem>>[vector<16xi32>], vector<16xf32>,
        %add3A_648 = arith.addi %mul3A_91, %broadcast_in_dim3A_631 : vector<16xi32>
        %gather3A_649 = tpu.vector_load_idx %arg8[%add3A_648] : memref<8320xf32, #tpu.memory_space<vmem>>[vector<16xi32>], vector<16xf32>,
        %add3A_650 = arith.constant 0 : i32
        %add3A_651 = arith.addi %mul3A_633, %add3A_650 : i32
        %swap3A_652 = arith.index_cast %rem3A_374 : i32 to index
        %swap3A_653 = arith.index_cast %add3A_651 : i32 to index
        %swap3A_654 = tpu.vector_load %arg9[%swap3A_652, %swap3A_653] {strides = array<i32>} : memref<5x8192xf32, #tpu.memory_space<vmem>>, vector<16xf32>,
        tpu.vector_store %arg9[%swap3A_652, %swap3A_653], %gather3A_635 {strides = array<i32>} : memref<5x8192xf32, #tpu.memory_space<vmem>>, vector<16xf32>,
        %add3A_655 = arith.constant 16 : i32
        %add3A_656 = arith.addi %mul3A_633, %add3A_655 : i32
        %swap3A_657 = arith.index_cast %rem3A_374 : i32 to index
        %swap3A_658 = arith.index_cast %add3A_656 : i32 to index
        %swap3A_659 = tpu.vector_load %arg9[%swap3A_657, %swap3A_658] {strides = array<i32>} : memref<5x8192xf32, #tpu.memory_space<vmem>>, vector<16xf32>,
        tpu.vector_store %arg9[%swap3A_657, %swap3A_658], %gather3A_637 {strides = array<i32>} : memref<5x8192xf32, #tpu.memory_space<vmem>>, vector<16xf32>,
        %add3A_660 = arith.constant 32 : i32
        %add3A_661 = arith.addi %mul3A_633, %add3A_660 : i32
        %swap3A_662 = arith.index_cast %rem3A_374 : i32 to index
        %swap3A_663 = arith.index_cast %add3A_661 : i32 to index
        %swap3A_664 = tpu.vector_load %arg9[%swap3A_662, %swap3A_663] {strides = array<i32>} : memref<5x8192xf32, #tpu.memory_space<vmem>>, vector<16xf32>,
        tpu.vector_store %arg9[%swap3A_662, %swap3A_663], %gather3A_639 {strides = array<i32>} : memref<5x8192xf32, #tpu.memory_space<vmem>>, vector<16xf32>,
        %add3A_665 = arith.constant 48 : i32
        %add3A_666 = arith.addi %mul3A_633, %add3A_665 : i32
        %swap3A_667 = arith.index_cast %rem3A_374 : i32 to index
        %swap3A_668 = arith.index_cast %add3A_666 : i32 to index
        %swap3A_669 = tpu.vector_load %arg9[%swap3A_667, %swap3A_668] {strides = array<i32>} : memref<5x8192xf32, #tpu.memory_space<vmem>>, vector<16xf32>,
        tpu.vector_store %arg9[%swap3A_667, %swap3A_668], %gather3A_641 {strides = array<i32>} : memref<5x8192xf32, #tpu.memory_space<vmem>>, vector<16xf32>,
        %add3A_670 = arith.constant 64 : i32
        %add3A_671 = arith.addi %mul3A_633, %add3A_670 : i32
        %swap3A_672 = arith.index_cast %rem3A_374 : i32 to index
        %swap3A_673 = arith.index_cast %add3A_671 : i32 to index
        %swap3A_674 = tpu.vector_load %arg9[%swap3A_672, %swap3A_673] {strides = array<i32>} : memref<5x8192xf32, #tpu.memory_space<vmem>>, vector<16xf32>,
        tpu.vector_store %arg9[%swap3A_672, %swap3A_673], %gather3A_643 {strides = array<i32>} : memref<5x8192xf32, #tpu.memory_space<vmem>>, vector<16xf32>,
        %add3A_675 = arith.constant 80 : i32
        %add3A_676 = arith.addi %mul3A_633, %add3A_675 : i32
        %swap3A_677 = arith.index_cast %rem3A_374 : i32 to index
        %swap3A_678 = arith.index_cast %add3A_676 : i32 to index
        %swap3A_679 = tpu.vector_load %arg9[%swap3A_677, %swap3A_678] {strides = array<i32>} : memref<5x8192xf32, #tpu.memory_space<vmem>>, vector<16xf32>,
        tpu.vector_store %arg9[%swap3A_677, %swap3A_678], %gather3A_645 {strides = array<i32>} : memref<5x8192xf32, #tpu.memory_space<vmem>>, vector<16xf32>,
        %add3A_680 = arith.constant 96 : i32
        %add3A_681 = arith.addi %mul3A_633, %add3A_680 : i32
        %swap3A_682 = arith.index_cast %rem3A_374 : i32 to index
        %swap3A_683 = arith.index_cast %add3A_681 : i32 to index
        %swap3A_684 = tpu.vector_load %arg9[%swap3A_682, %swap3A_683] {strides = array<i32>} : memref<5x8192xf32, #tpu.memory_space<vmem>>, vector<16xf32>,
        tpu.vector_store %arg9[%swap3A_682, %swap3A_683], %gather3A_647 {strides = array<i32>} : memref<5x8192xf32, #tpu.memory_space<vmem>>, vector<16xf32>,
        %add3A_685 = arith.constant 112 : i32
        %add3A_686 = arith.addi %mul3A_633, %add3A_685 : i32
        %swap3A_687 = arith.index_cast %rem3A_374 : i32 to index
        %swap3A_688 = arith.index_cast %add3A_686 : i32 to index
        %swap3A_689 = tpu.vector_load %arg9[%swap3A_687, %swap3A_688] {strides = array<i32>} : memref<5x8192xf32, #tpu.memory_space<vmem>>, vector<16xf32>,
        tpu.vector_store %arg9[%swap3A_687, %swap3A_688], %gather3A_649 {strides = array<i32>} : memref<5x8192xf32, #tpu.memory_space<vmem>>, vector<16xf32>,
      }
      %scan3A_443 = arith.constant 64 : i32
      %add3A_444 = arith.addi %mul3A_2, %scan3A_372 : i32
      %jit3A_445 = arith.constant 8 : i32
      %div3A_446 = arith.divsi %add3A_444, %jit3A_445 : i32
      %sign3A_447 = arith.constant 0 : i32
      %sign3A_448 = arith.cmpi sgt, %add3A_444, %sign3A_447 : i32
      %sign3A_449 = arith.extui %sign3A_448 : i1 to i32
      %sign3A_450 = arith.constant 0 : i32
      %sign3A_451 = arith.cmpi slt, %add3A_444, %sign3A_450 : i32
      %sign3A_452 = arith.extui %sign3A_451 : i1 to i32
      %sign3A_453 = arith.subi %sign3A_449, %sign3A_452 : i32
      %sign3A_454 = arith.constant 0 : i32
      %sign3A_455 = arith.cmpi sgt, %jit3A_445, %sign3A_454 : i32
      %sign3A_456 = arith.extui %sign3A_455 : i1 to i32
      %sign3A_457 = arith.constant 0 : i32
      %sign3A_458 = arith.cmpi slt, %jit3A_445, %sign3A_457 : i32
      %sign3A_459 = arith.extui %sign3A_458 : i1 to i32
      %sign3A_460 = arith.subi %sign3A_456, %sign3A_459 : i32
      %ne3A_461 = arith.cmpi ne, %sign3A_453, %sign3A_460 : i32
      %rem3A_462 = arith.remsi %add3A_444, %jit3A_445 : i32
      %ne3A_463 = arith.constant 0 : i32
      %ne3A_464 = arith.cmpi ne, %rem3A_462, %ne3A_463 : i32
      %and3A_465 = arith.andi %ne3A_461, %ne3A_464 : i1
      %sub3A_466 = arith.constant 1 : i32
      %sub3A_467 = arith.subi %div3A_446, %sub3A_466 : i32
      %select_n3A_468 = arith.select %and3A_465, %sub3A_467, %div3A_446 : i32
      %rem3A_469 = arith.constant 8 : i32
      %rem3A_470 = arith.remsi %add3A_444, %rem3A_469 : i32
      %mul3A_471 = arith.constant 65536 : i32
      %mul3A_472 = arith.muli %select_n3A_468, %mul3A_471 : i32
      %mul3A_473 = arith.constant 1024 : i32
      %mul3A_474 = arith.muli %rem3A_470, %mul3A_473 : i32
      %add3A_475 = arith.addi %mul3A_472, %mul3A_474 : i32
      %add3A_476 = arith.constant 0 : i32
      %add3A_477 = arith.addi %add3A_475, %add3A_476 : i32
      %dma_start3A_478 = arith.constant 0 : i32
      %dma_start3A_479 = tpu.memref_slice %arg9[%rem3A_374, %dma_start3A_478] : memref<5x8192xf32, #tpu.memory_space<vmem>> -> memref<1x1024xf32, #tpu.memory_space<vmem>>
      %dma_start3A_480 = tpu.memref_squeeze %dma_start3A_479 : memref<1x1024xf32, #tpu.memory_space<vmem>> -> memref<1024xf32, #tpu.memory_space<vmem>>
      %dma_start3A_481 = tpu.memref_slice %arg5[%add3A_477] : memref<13107200xf32, #tpu.memory_space<hbm>> -> memref<1024xf32, #tpu.memory_space<hbm>>
      %dma_start3A_482 = tpu.memref_slice %arg12[%rem3A_374] : memref<5x!tpu.dma_semaphore, #tpu.memory_space<semaphore_mem>> -> memref<1x!tpu.dma_semaphore, #tpu.memory_space<semaphore_mem>>
      %dma_start3A_483 = tpu.memref_squeeze %dma_start3A_482 : memref<1x!tpu.dma_semaphore, #tpu.memory_space<semaphore_mem>> -> memref<!tpu.dma_semaphore, #tpu.memory_space<semaphore_mem>>
      %dma_start3A_484 = tpu.memref_slice %arg5[%add3A_477] : memref<13107200xf32, #tpu.memory_space<hbm>> -> memref<1024xf32, #tpu.memory_space<hbm>>
      %dma_start3A_485 = arith.constant 0 : i32
      %dma_start3A_486 = tpu.memref_slice %arg9[%rem3A_374, %dma_start3A_485] : memref<5x8192xf32, #tpu.memory_space<vmem>> -> memref<1x1024xf32, #tpu.memory_space<vmem>>
      %dma_start3A_487 = tpu.memref_squeeze %dma_start3A_486 : memref<1x1024xf32, #tpu.memory_space<vmem>> -> memref<1024xf32, #tpu.memory_space<vmem>>
      tpu.enqueue_dma source(%dma_start3A_487 : memref<1024xf32, #tpu.memory_space<vmem>>) target(%dma_start3A_484 : memref<1024xf32, #tpu.memory_space<hbm>>) target_semaphore(%dma_start3A_483 : memref<!tpu.dma_semaphore, #tpu.memory_space<semaphore_mem>>)
      %add3A_488 = arith.constant 8192 : i32
      %add3A_489 = arith.addi %add3A_475, %add3A_488 : i32
      %dma_start3A_490 = arith.constant 1024 : i32
      %dma_start3A_491 = tpu.memref_slice %arg9[%rem3A_374, %dma_start3A_490] : memref<5x8192xf32, #tpu.memory_space<vmem>> -> memref<1x1024xf32, #tpu.memory_space<vmem>>
      %dma_start3A_492 = tpu.memref_squeeze %dma_start3A_491 : memref<1x1024xf32, #tpu.memory_space<vmem>> -> memref<1024xf32, #tpu.memory_space<vmem>>
      %dma_start3A_493 = tpu.memref_slice %arg5[%add3A_489] : memref<13107200xf32, #tpu.memory_space<hbm>> -> memref<1024xf32, #tpu.memory_space<hbm>>
      %dma_start3A_494 = tpu.memref_slice %arg12[%rem3A_374] : memref<5x!tpu.dma_semaphore, #tpu.memory_space<semaphore_mem>> -> memref<1x!tpu.dma_semaphore, #tpu.memory_space<semaphore_mem>>
      %dma_start3A_495 = tpu.memref_squeeze %dma_start3A_494 : memref<1x!tpu.dma_semaphore, #tpu.memory_space<semaphore_mem>> -> memref<!tpu.dma_semaphore, #tpu.memory_space<semaphore_mem>>
      %dma_start3A_496 = tpu.memref_slice %arg5[%add3A_489] : memref<13107200xf32, #tpu.memory_space<hbm>> -> memref<1024xf32, #tpu.memory_space<hbm>>
      %dma_start3A_497 = arith.constant 1024 : i32
      %dma_start3A_498 = tpu.memref_slice %arg9[%rem3A_374, %dma_start3A_497] : memref<5x8192xf32, #tpu.memory_space<vmem>> -> memref<1x1024xf32, #tpu.memory_space<vmem>>
      %dma_start3A_499 = tpu.memref_squeeze %dma_start3A_498 : memref<1x1024xf32, #tpu.memory_space<vmem>> -> memref<1024xf32, #tpu.memory_space<vmem>>
      tpu.enqueue_dma source(%dma_start3A_499 : memref<1024xf32, #tpu.memory_space<vmem>>) target(%dma_start3A_496 : memref<1024xf32, #tpu.memory_space<hbm>>) target_semaphore(%dma_start3A_495 : memref<!tpu.dma_semaphore, #tpu.memory_space<semaphore_mem>>)
      %add3A_500 = arith.constant 16384 : i32
      %add3A_501 = arith.addi %add3A_475, %add3A_500 : i32
      %dma_start3A_502 = arith.constant 2048 : i32
      %dma_start3A_503 = tpu.memref_slice %arg9[%rem3A_374, %dma_start3A_502] : memref<5x8192xf32, #tpu.memory_space<vmem>> -> memref<1x1024xf32, #tpu.memory_space<vmem>>
      %dma_start3A_504 = tpu.memref_squeeze %dma_start3A_503 : memref<1x1024xf32, #tpu.memory_space<vmem>> -> memref<1024xf32, #tpu.memory_space<vmem>>
      %dma_start3A_505 = tpu.memref_slice %arg5[%add3A_501] : memref<13107200xf32, #tpu.memory_space<hbm>> -> memref<1024xf32, #tpu.memory_space<hbm>>
      %dma_start3A_506 = tpu.memref_slice %arg12[%rem3A_374] : memref<5x!tpu.dma_semaphore, #tpu.memory_space<semaphore_mem>> -> memref<1x!tpu.dma_semaphore, #tpu.memory_space<semaphore_mem>>
      %dma_start3A_507 = tpu.memref_squeeze %dma_start3A_506 : memref<1x!tpu.dma_semaphore, #tpu.memory_space<semaphore_mem>> -> memref<!tpu.dma_semaphore, #tpu.memory_space<semaphore_mem>>
      %dma_start3A_508 = tpu.memref_slice %arg5[%add3A_501] : memref<13107200xf32, #tpu.memory_space<hbm>> -> memref<1024xf32, #tpu.memory_space<hbm>>
      %dma_start3A_509 = arith.constant 2048 : i32
      %dma_start3A_510 = tpu.memref_slice %arg9[%rem3A_374, %dma_start3A_509] : memref<5x8192xf32, #tpu.memory_space<vmem>> -> memref<1x1024xf32, #tpu.memory_space<vmem>>
      %dma_start3A_511 = tpu.memref_squeeze %dma_start3A_510 : memref<1x1024xf32, #tpu.memory_space<vmem>> -> memref<1024xf32, #tpu.memory_space<vmem>>
      tpu.enqueue_dma source(%dma_start3A_511 : memref<1024xf32, #tpu.memory_space<vmem>>) target(%dma_start3A_508 : memref<1024xf32, #tpu.memory_space<hbm>>) target_semaphore(%dma_start3A_507 : memref<!tpu.dma_semaphore, #tpu.memory_space<semaphore_mem>>)
      %add3A_512 = arith.constant 24576 : i32
      %add3A_513 = arith.addi %add3A_475, %add3A_512 : i32
      %dma_start3A_514 = arith.constant 3072 : i32
      %dma_start3A_515 = tpu.memref_slice %arg9[%rem3A_374, %dma_start3A_514] : memref<5x8192xf32, #tpu.memory_space<vmem>> -> memref<1x1024xf32, #tpu.memory_space<vmem>>
      %dma_start3A_516 = tpu.memref_squeeze %dma_start3A_515 : memref<1x1024xf32, #tpu.memory_space<vmem>> -> memref<1024xf32, #tpu.memory_space<vmem>>
      %dma_start3A_517 = tpu.memref_slice %arg5[%add3A_513] : memref<13107200xf32, #tpu.memory_space<hbm>> -> memref<1024xf32, #tpu.memory_space<hbm>>
      %dma_start3A_518 = tpu.memref_slice %arg12[%rem3A_374] : memref<5x!tpu.dma_semaphore, #tpu.memory_space<semaphore_mem>> -> memref<1x!tpu.dma_semaphore, #tpu.memory_space<semaphore_mem>>
      %dma_start3A_519 = tpu.memref_squeeze %dma_start3A_518 : memref<1x!tpu.dma_semaphore, #tpu.memory_space<semaphore_mem>> -> memref<!tpu.dma_semaphore, #tpu.memory_space<semaphore_mem>>
      %dma_start3A_520 = tpu.memref_slice %arg5[%add3A_513] : memref<13107200xf32, #tpu.memory_space<hbm>> -> memref<1024xf32, #tpu.memory_space<hbm>>
      %dma_start3A_521 = arith.constant 3072 : i32
      %dma_start3A_522 = tpu.memref_slice %arg9[%rem3A_374, %dma_start3A_521] : memref<5x8192xf32, #tpu.memory_space<vmem>> -> memref<1x1024xf32, #tpu.memory_space<vmem>>
      %dma_start3A_523 = tpu.memref_squeeze %dma_start3A_522 : memref<1x1024xf32, #tpu.memory_space<vmem>> -> memref<1024xf32, #tpu.memory_space<vmem>>
      tpu.enqueue_dma source(%dma_start3A_523 : memref<1024xf32, #tpu.memory_space<vmem>>) target(%dma_start3A_520 : memref<1024xf32, #tpu.memory_space<hbm>>) target_semaphore(%dma_start3A_519 : memref<!tpu.dma_semaphore, #tpu.memory_space<semaphore_mem>>)
      %add3A_524 = arith.constant 32768 : i32
      %add3A_525 = arith.addi %add3A_475, %add3A_524 : i32
      %dma_start3A_526 = arith.constant 4096 : i32
      %dma_start3A_527 = tpu.memref_slice %arg9[%rem3A_374, %dma_start3A_526] : memref<5x8192xf32, #tpu.memory_space<vmem>> -> memref<1x1024xf32, #tpu.memory_space<vmem>>
      %dma_start3A_528 = tpu.memref_squeeze %dma_start3A_527 : memref<1x1024xf32, #tpu.memory_space<vmem>> -> memref<1024xf32, #tpu.memory_space<vmem>>
      %dma_start3A_529 = tpu.memref_slice %arg5[%add3A_525] : memref<13107200xf32, #tpu.memory_space<hbm>> -> memref<1024xf32, #tpu.memory_space<hbm>>
      %dma_start3A_530 = tpu.memref_slice %arg12[%rem3A_374] : memref<5x!tpu.dma_semaphore, #tpu.memory_space<semaphore_mem>> -> memref<1x!tpu.dma_semaphore, #tpu.memory_space<semaphore_mem>>
      %dma_start3A_531 = tpu.memref_squeeze %dma_start3A_530 : memref<1x!tpu.dma_semaphore, #tpu.memory_space<semaphore_mem>> -> memref<!tpu.dma_semaphore, #tpu.memory_space<semaphore_mem>>
      %dma_start3A_532 = tpu.memref_slice %arg5[%add3A_525] : memref<13107200xf32, #tpu.memory_space<hbm>> -> memref<1024xf32, #tpu.memory_space<hbm>>
      %dma_start3A_533 = arith.constant 4096 : i32
      %dma_start3A_534 = tpu.memref_slice %arg9[%rem3A_374, %dma_start3A_533] : memref<5x8192xf32, #tpu.memory_space<vmem>> -> memref<1x1024xf32, #tpu.memory_space<vmem>>
      %dma_start3A_535 = tpu.memref_squeeze %dma_start3A_534 : memref<1x1024xf32, #tpu.memory_space<vmem>> -> memref<1024xf32, #tpu.memory_space<vmem>>
      tpu.enqueue_dma source(%dma_start3A_535 : memref<1024xf32, #tpu.memory_space<vmem>>) target(%dma_start3A_532 : memref<1024xf32, #tpu.memory_space<hbm>>) target_semaphore(%dma_start3A_531 : memref<!tpu.dma_semaphore, #tpu.memory_space<semaphore_mem>>)
      %add3A_536 = arith.constant 40960 : i32
      %add3A_537 = arith.addi %add3A_475, %add3A_536 : i32
      %dma_start3A_538 = arith.constant 5120 : i32
      %dma_start3A_539 = tpu.memref_slice %arg9[%rem3A_374, %dma_start3A_538] : memref<5x8192xf32, #tpu.memory_space<vmem>> -> memref<1x1024xf32, #tpu.memory_space<vmem>>
      %dma_start3A_540 = tpu.memref_squeeze %dma_start3A_539 : memref<1x1024xf32, #tpu.memory_space<vmem>> -> memref<1024xf32, #tpu.memory_space<vmem>>
      %dma_start3A_541 = tpu.memref_slice %arg5[%add3A_537] : memref<13107200xf32, #tpu.memory_space<hbm>> -> memref<1024xf32, #tpu.memory_space<hbm>>
      %dma_start3A_542 = tpu.memref_slice %arg12[%rem3A_374] : memref<5x!tpu.dma_semaphore, #tpu.memory_space<semaphore_mem>> -> memref<1x!tpu.dma_semaphore, #tpu.memory_space<semaphore_mem>>
      %dma_start3A_543 = tpu.memref_squeeze %dma_start3A_542 : memref<1x!tpu.dma_semaphore, #tpu.memory_space<semaphore_mem>> -> memref<!tpu.dma_semaphore, #tpu.memory_space<semaphore_mem>>
      %dma_start3A_544 = tpu.memref_slice %arg5[%add3A_537] : memref<13107200xf32, #tpu.memory_space<hbm>> -> memref<1024xf32, #tpu.memory_space<hbm>>
      %dma_start3A_545 = arith.constant 5120 : i32
      %dma_start3A_546 = tpu.memref_slice %arg9[%rem3A_374, %dma_start3A_545] : memref<5x8192xf32, #tpu.memory_space<vmem>> -> memref<1x1024xf32, #tpu.memory_space<vmem>>
      %dma_start3A_547 = tpu.memref_squeeze %dma_start3A_546 : memref<1x1024xf32, #tpu.memory_space<vmem>> -> memref<1024xf32, #tpu.memory_space<vmem>>
      tpu.enqueue_dma source(%dma_start3A_547 : memref<1024xf32, #tpu.memory_space<vmem>>) target(%dma_start3A_544 : memref<1024xf32, #tpu.memory_space<hbm>>) target_semaphore(%dma_start3A_543 : memref<!tpu.dma_semaphore, #tpu.memory_space<semaphore_mem>>)
      %add3A_548 = arith.constant 49152 : i32
      %add3A_549 = arith.addi %add3A_475, %add3A_548 : i32
      %dma_start3A_550 = arith.constant 6144 : i32
      %dma_start3A_551 = tpu.memref_slice %arg9[%rem3A_374, %dma_start3A_550] : memref<5x8192xf32, #tpu.memory_space<vmem>> -> memref<1x1024xf32, #tpu.memory_space<vmem>>
      %dma_start3A_552 = tpu.memref_squeeze %dma_start3A_551 : memref<1x1024xf32, #tpu.memory_space<vmem>> -> memref<1024xf32, #tpu.memory_space<vmem>>
      %dma_start3A_553 = tpu.memref_slice %arg5[%add3A_549] : memref<13107200xf32, #tpu.memory_space<hbm>> -> memref<1024xf32, #tpu.memory_space<hbm>>
      %dma_start3A_554 = tpu.memref_slice %arg12[%rem3A_374] : memref<5x!tpu.dma_semaphore, #tpu.memory_space<semaphore_mem>> -> memref<1x!tpu.dma_semaphore, #tpu.memory_space<semaphore_mem>>
      %dma_start3A_555 = tpu.memref_squeeze %dma_start3A_554 : memref<1x!tpu.dma_semaphore, #tpu.memory_space<semaphore_mem>> -> memref<!tpu.dma_semaphore, #tpu.memory_space<semaphore_mem>>
      %dma_start3A_556 = tpu.memref_slice %arg5[%add3A_549] : memref<13107200xf32, #tpu.memory_space<hbm>> -> memref<1024xf32, #tpu.memory_space<hbm>>
      %dma_start3A_557 = arith.constant 6144 : i32
      %dma_start3A_558 = tpu.memref_slice %arg9[%rem3A_374, %dma_start3A_557] : memref<5x8192xf32, #tpu.memory_space<vmem>> -> memref<1x1024xf32, #tpu.memory_space<vmem>>
      %dma_start3A_559 = tpu.memref_squeeze %dma_start3A_558 : memref<1x1024xf32, #tpu.memory_space<vmem>> -> memref<1024xf32, #tpu.memory_space<vmem>>
      tpu.enqueue_dma source(%dma_start3A_559 : memref<1024xf32, #tpu.memory_space<vmem>>) target(%dma_start3A_556 : memref<1024xf32, #tpu.memory_space<hbm>>) target_semaphore(%dma_start3A_555 : memref<!tpu.dma_semaphore, #tpu.memory_space<semaphore_mem>>)
      %add3A_560 = arith.constant 57344 : i32
      %add3A_561 = arith.addi %add3A_475, %add3A_560 : i32
      %dma_start3A_562 = arith.constant 7168 : i32
      %dma_start3A_563 = tpu.memref_slice %arg9[%rem3A_374, %dma_start3A_562] : memref<5x8192xf32, #tpu.memory_space<vmem>> -> memref<1x1024xf32, #tpu.memory_space<vmem>>
      %dma_start3A_564 = tpu.memref_squeeze %dma_start3A_563 : memref<1x1024xf32, #tpu.memory_space<vmem>> -> memref<1024xf32, #tpu.memory_space<vmem>>
      %dma_start3A_565 = tpu.memref_slice %arg5[%add3A_561] : memref<13107200xf32, #tpu.memory_space<hbm>> -> memref<1024xf32, #tpu.memory_space<hbm>>
      %dma_start3A_566 = tpu.memref_slice %arg12[%rem3A_374] : memref<5x!tpu.dma_semaphore, #tpu.memory_space<semaphore_mem>> -> memref<1x!tpu.dma_semaphore, #tpu.memory_space<semaphore_mem>>
      %dma_start3A_567 = tpu.memref_squeeze %dma_start3A_566 : memref<1x!tpu.dma_semaphore, #tpu.memory_space<semaphore_mem>> -> memref<!tpu.dma_semaphore, #tpu.memory_space<semaphore_mem>>
      %dma_start3A_568 = tpu.memref_slice %arg5[%add3A_561] : memref<13107200xf32, #tpu.memory_space<hbm>> -> memref<1024xf32, #tpu.memory_space<hbm>>
      %dma_start3A_569 = arith.constant 7168 : i32
      %dma_start3A_570 = tpu.memref_slice %arg9[%rem3A_374, %dma_start3A_569] : memref<5x8192xf32, #tpu.memory_space<vmem>> -> memref<1x1024xf32, #tpu.memory_space<vmem>>
      %dma_start3A_571 = tpu.memref_squeeze %dma_start3A_570 : memref<1x1024xf32, #tpu.memory_space<vmem>> -> memref<1024xf32, #tpu.memory_space<vmem>>
      tpu.enqueue_dma source(%dma_start3A_571 : memref<1024xf32, #tpu.memory_space<vmem>>) target(%dma_start3A_568 : memref<1024xf32, #tpu.memory_space<hbm>>) target_semaphore(%dma_start3A_567 : memref<!tpu.dma_semaphore, #tpu.memory_space<semaphore_mem>>)
    }
    %scan3A_302 = arith.constant 50 : i32
    %dma_wait3A = arith.constant 0 : i32
    %dma_wait3A_303 = arith.constant 0 : i32
    %dma_wait3A_304 = arith.constant 0 : i32
    %dma_wait3A_305 = tpu.memref_slice %arg9[%dma_wait3A, %dma_wait3A_304] : memref<5x8192xf32, #tpu.memory_space<vmem>> -> memref<1x8192xf32, #tpu.memory_space<vmem>>
    %dma_wait3A_306 = tpu.memref_squeeze %dma_wait3A_305 : memref<1x8192xf32, #tpu.memory_space<vmem>> -> memref<8192xf32, #tpu.memory_space<vmem>>
    %dma_wait3A_307 = arith.constant 0 : i32
    %dma_wait3A_308 = tpu.memref_slice %arg5[%dma_wait3A_307] : memref<13107200xf32, #tpu.memory_space<hbm>> -> memref<8192xf32, #tpu.memory_space<hbm>>
    %dma_wait3A_309 = tpu.memref_slice %arg12[%dma_wait3A_303] : memref<5x!tpu.dma_semaphore, #tpu.memory_space<semaphore_mem>> -> memref<1x!tpu.dma_semaphore, #tpu.memory_space<semaphore_mem>>
    %dma_wait3A_310 = tpu.memref_squeeze %dma_wait3A_309 : memref<1x!tpu.dma_semaphore, #tpu.memory_space<semaphore_mem>> -> memref<!tpu.dma_semaphore, #tpu.memory_space<semaphore_mem>>
    %dma_wait3A_311 = arith.constant 0 : i32
    %dma_wait3A_312 = tpu.memref_slice %arg5[%dma_wait3A_311] : memref<13107200xf32, #tpu.memory_space<hbm>> -> memref<8192xf32, #tpu.memory_space<hbm>>
    %dma_wait3A_313 = arith.constant 0 : i32
    %dma_wait3A_314 = tpu.memref_slice %arg9[%dma_wait3A, %dma_wait3A_313] : memref<5x8192xf32, #tpu.memory_space<vmem>> -> memref<1x8192xf32, #tpu.memory_space<vmem>>
    %dma_wait3A_315 = tpu.memref_squeeze %dma_wait3A_314 : memref<1x8192xf32, #tpu.memory_space<vmem>> -> memref<8192xf32, #tpu.memory_space<vmem>>
    tpu.wait_dma2 semaphore(%dma_wait3A_310 : memref<!tpu.dma_semaphore, #tpu.memory_space<semaphore_mem>>) src(%dma_wait3A_315 : memref<8192xf32, #tpu.memory_space<vmem>>) dst(%dma_wait3A_312 : memref<8192xf32, #tpu.memory_space<hbm>>)
    %dma_wait3A_316 = arith.constant 1 : i32
    %dma_wait3A_317 = arith.constant 1 : i32
    %dma_wait3A_318 = arith.constant 0 : i32
    %dma_wait3A_319 = tpu.memref_slice %arg9[%dma_wait3A_316, %dma_wait3A_318] : memref<5x8192xf32, #tpu.memory_space<vmem>> -> memref<1x8192xf32, #tpu.memory_space<vmem>>
    %dma_wait3A_320 = tpu.memref_squeeze %dma_wait3A_319 : memref<1x8192xf32, #tpu.memory_space<vmem>> -> memref<8192xf32, #tpu.memory_space<vmem>>
    %dma_wait3A_321 = arith.constant 0 : i32
    %dma_wait3A_322 = tpu.memref_slice %arg5[%dma_wait3A_321] : memref<13107200xf32, #tpu.memory_space<hbm>> -> memref<8192xf32, #tpu.memory_space<hbm>>
    %dma_wait3A_323 = tpu.memref_slice %arg12[%dma_wait3A_317] : memref<5x!tpu.dma_semaphore, #tpu.memory_space<semaphore_mem>> -> memref<1x!tpu.dma_semaphore, #tpu.memory_space<semaphore_mem>>
    %dma_wait3A_324 = tpu.memref_squeeze %dma_wait3A_323 : memref<1x!tpu.dma_semaphore, #tpu.memory_space<semaphore_mem>> -> memref<!tpu.dma_semaphore, #tpu.memory_space<semaphore_mem>>
    %dma_wait3A_325 = arith.constant 0 : i32
    %dma_wait3A_326 = tpu.memref_slice %arg5[%dma_wait3A_325] : memref<13107200xf32, #tpu.memory_space<hbm>> -> memref<8192xf32, #tpu.memory_space<hbm>>
    %dma_wait3A_327 = arith.constant 0 : i32
    %dma_wait3A_328 = tpu.memref_slice %arg9[%dma_wait3A_316, %dma_wait3A_327] : memref<5x8192xf32, #tpu.memory_space<vmem>> -> memref<1x8192xf32, #tpu.memory_space<vmem>>
    %dma_wait3A_329 = tpu.memref_squeeze %dma_wait3A_328 : memref<1x8192xf32, #tpu.memory_space<vmem>> -> memref<8192xf32, #tpu.memory_space<vmem>>
    tpu.wait_dma2 semaphore(%dma_wait3A_324 : memref<!tpu.dma_semaphore, #tpu.memory_space<semaphore_mem>>) src(%dma_wait3A_329 : memref<8192xf32, #tpu.memory_space<vmem>>) dst(%dma_wait3A_326 : memref<8192xf32, #tpu.memory_space<hbm>>)
    %dma_wait3A_330 = arith.constant 2 : i32
    %dma_wait3A_331 = arith.constant 2 : i32
    %dma_wait3A_332 = arith.constant 0 : i32
    %dma_wait3A_333 = tpu.memref_slice %arg9[%dma_wait3A_330, %dma_wait3A_332] : memref<5x8192xf32, #tpu.memory_space<vmem>> -> memref<1x8192xf32, #tpu.memory_space<vmem>>
    %dma_wait3A_334 = tpu.memref_squeeze %dma_wait3A_333 : memref<1x8192xf32, #tpu.memory_space<vmem>> -> memref<8192xf32, #tpu.memory_space<vmem>>
    %dma_wait3A_335 = arith.constant 0 : i32
    %dma_wait3A_336 = tpu.memref_slice %arg5[%dma_wait3A_335] : memref<13107200xf32, #tpu.memory_space<hbm>> -> memref<8192xf32, #tpu.memory_space<hbm>>
    %dma_wait3A_337 = tpu.memref_slice %arg12[%dma_wait3A_331] : memref<5x!tpu.dma_semaphore, #tpu.memory_space<semaphore_mem>> -> memref<1x!tpu.dma_semaphore, #tpu.memory_space<semaphore_mem>>
    %dma_wait3A_338 = tpu.memref_squeeze %dma_wait3A_337 : memref<1x!tpu.dma_semaphore, #tpu.memory_space<semaphore_mem>> -> memref<!tpu.dma_semaphore, #tpu.memory_space<semaphore_mem>>
    %dma_wait3A_339 = arith.constant 0 : i32
    %dma_wait3A_340 = tpu.memref_slice %arg5[%dma_wait3A_339] : memref<13107200xf32, #tpu.memory_space<hbm>> -> memref<8192xf32, #tpu.memory_space<hbm>>
    %dma_wait3A_341 = arith.constant 0 : i32
    %dma_wait3A_342 = tpu.memref_slice %arg9[%dma_wait3A_330, %dma_wait3A_341] : memref<5x8192xf32, #tpu.memory_space<vmem>> -> memref<1x8192xf32, #tpu.memory_space<vmem>>
    %dma_wait3A_343 = tpu.memref_squeeze %dma_wait3A_342 : memref<1x8192xf32, #tpu.memory_space<vmem>> -> memref<8192xf32, #tpu.memory_space<vmem>>
    tpu.wait_dma2 semaphore(%dma_wait3A_338 : memref<!tpu.dma_semaphore, #tpu.memory_space<semaphore_mem>>) src(%dma_wait3A_343 : memref<8192xf32, #tpu.memory_space<vmem>>) dst(%dma_wait3A_340 : memref<8192xf32, #tpu.memory_space<hbm>>)
    %dma_wait3A_344 = arith.constant 3 : i32
    %dma_wait3A_345 = arith.constant 3 : i32
    %dma_wait3A_346 = arith.constant 0 : i32
    %dma_wait3A_347 = tpu.memref_slice %arg9[%dma_wait3A_344, %dma_wait3A_346] : memref<5x8192xf32, #tpu.memory_space<vmem>> -> memref<1x8192xf32, #tpu.memory_space<vmem>>
    %dma_wait3A_348 = tpu.memref_squeeze %dma_wait3A_347 : memref<1x8192xf32, #tpu.memory_space<vmem>> -> memref<8192xf32, #tpu.memory_space<vmem>>
    %dma_wait3A_349 = arith.constant 0 : i32
    %dma_wait3A_350 = tpu.memref_slice %arg5[%dma_wait3A_349] : memref<13107200xf32, #tpu.memory_space<hbm>> -> memref<8192xf32, #tpu.memory_space<hbm>>
    %dma_wait3A_351 = tpu.memref_slice %arg12[%dma_wait3A_345] : memref<5x!tpu.dma_semaphore, #tpu.memory_space<semaphore_mem>> -> memref<1x!tpu.dma_semaphore, #tpu.memory_space<semaphore_mem>>
    %dma_wait3A_352 = tpu.memref_squeeze %dma_wait3A_351 : memref<1x!tpu.dma_semaphore, #tpu.memory_space<semaphore_mem>> -> memref<!tpu.dma_semaphore, #tpu.memory_space<semaphore_mem>>
    %dma_wait3A_353 = arith.constant 0 : i32
    %dma_wait3A_354 = tpu.memref_slice %arg5[%dma_wait3A_353] : memref<13107200xf32, #tpu.memory_space<hbm>> -> memref<8192xf32, #tpu.memory_space<hbm>>
    %dma_wait3A_355 = arith.constant 0 : i32
    %dma_wait3A_356 = tpu.memref_slice %arg9[%dma_wait3A_344, %dma_wait3A_355] : memref<5x8192xf32, #tpu.memory_space<vmem>> -> memref<1x8192xf32, #tpu.memory_space<vmem>>
    %dma_wait3A_357 = tpu.memref_squeeze %dma_wait3A_356 : memref<1x8192xf32, #tpu.memory_space<vmem>> -> memref<8192xf32, #tpu.memory_space<vmem>>
    tpu.wait_dma2 semaphore(%dma_wait3A_352 : memref<!tpu.dma_semaphore, #tpu.memory_space<semaphore_mem>>) src(%dma_wait3A_357 : memref<8192xf32, #tpu.memory_space<vmem>>) dst(%dma_wait3A_354 : memref<8192xf32, #tpu.memory_space<hbm>>)
    %dma_wait3A_358 = arith.constant 4 : i32
    %dma_wait3A_359 = arith.constant 4 : i32
    %dma_wait3A_360 = arith.constant 0 : i32
    %dma_wait3A_361 = tpu.memref_slice %arg9[%dma_wait3A_358, %dma_wait3A_360] : memref<5x8192xf32, #tpu.memory_space<vmem>> -> memref<1x8192xf32, #tpu.memory_space<vmem>>
    %dma_wait3A_362 = tpu.memref_squeeze %dma_wait3A_361 : memref<1x8192xf32, #tpu.memory_space<vmem>> -> memref<8192xf32, #tpu.memory_space<vmem>>
    %dma_wait3A_363 = arith.constant 0 : i32
    %dma_wait3A_364 = tpu.memref_slice %arg5[%dma_wait3A_363] : memref<13107200xf32, #tpu.memory_space<hbm>> -> memref<8192xf32, #tpu.memory_space<hbm>>
    %dma_wait3A_365 = tpu.memref_slice %arg12[%dma_wait3A_359] : memref<5x!tpu.dma_semaphore, #tpu.memory_space<semaphore_mem>> -> memref<1x!tpu.dma_semaphore, #tpu.memory_space<semaphore_mem>>
    %dma_wait3A_366 = tpu.memref_squeeze %dma_wait3A_365 : memref<1x!tpu.dma_semaphore, #tpu.memory_space<semaphore_mem>> -> memref<!tpu.dma_semaphore, #tpu.memory_space<semaphore_mem>>
    %dma_wait3A_367 = arith.constant 0 : i32
    %dma_wait3A_368 = tpu.memref_slice %arg5[%dma_wait3A_367] : memref<13107200xf32, #tpu.memory_space<hbm>> -> memref<8192xf32, #tpu.memory_space<hbm>>
    %dma_wait3A_369 = arith.constant 0 : i32
    %dma_wait3A_370 = tpu.memref_slice %arg9[%dma_wait3A_358, %dma_wait3A_369] : memref<5x8192xf32, #tpu.memory_space<vmem>> -> memref<1x8192xf32, #tpu.memory_space<vmem>>
    %dma_wait3A_371 = tpu.memref_squeeze %dma_wait3A_370 : memref<1x8192xf32, #tpu.memory_space<vmem>> -> memref<8192xf32, #tpu.memory_space<vmem>>
    tpu.wait_dma2 semaphore(%dma_wait3A_366 : memref<!tpu.dma_semaphore, #tpu.memory_space<semaphore_mem>>) src(%dma_wait3A_371 : memref<8192xf32, #tpu.memory_space<vmem>>) dst(%dma_wait3A_368 : memref<8192xf32, #tpu.memory_space<hbm>>)
    return
  }
}

</mosaic_0001>

<sc_bundles>
// kernel: kernel.3.cloned.1.call-start
scs
__scs_entry_jumppad:
0x0: {  	(pc) =	sbr.rel $0x88, $3  }
0x1: {  	(tag) =	ssettag $0x0;
	lr =	simm.s32 $0x1  }
0x2: {  	[smem:$0x3F9E] =	sst lr;
	_ =	strace $0xD0000000  }
0x3: {  	_ = 	snop  }
0x4: {  	_ = 	snop  }
0x5: {  	_ = 	snop  }
0x6: {  	_ = 	snop  }
0x7: {  	_ = 	snop  }
__scs_overlays_trampoline_lowered:
0x8: {  	[smem:$0x3FAD] =	sst s0  }
0x9: {  	[smem:$0x3FAE] =	sst s1  }
0xa: {  	[smem:$0x3FAF] =	sst s2  }
0xb: {  	[smem:$0x3FB0] =	sst s3  }
0xc: {  	[smem:$0x3FB1] =	sst s4  }
0xd: {  	[smem:$0x3FB2] =	sst s5  }
0xe: {  	[smem:$0x3FB3] =	sst s6  }
0xf: {  	[smem:$0x3FB4] =	sst s7  }
0x10: {  	[smem:$0x3FB5] =	sst s8  }
0x11: {  	[smem:$0x3FB6] =	sst s9;
	s0 =	simm.s32 @!p0 $0x0  }
0x12: {  	s1 =	sld [smem:$0x3F9C];
	s0 =	simm.s32 @p0 $0x1  }
0x13: {  	[smem:$0x3FB7] =	sst s0;
	s0 =	simm.s32 @!p1 $0x0  }
0x14: {  	s2 =	sld [smem:$0x3F9B];
	s0 =	simm.s32 @p1 $0x1  }
0x15: {  	[smem:$0x3FB8] =	sst s0;
	s0 =	simm.s32 @!p2 $0x0  }
0x16: {  	s3 =	sld [smem:$0x3FDB];
	s0 =	simm.s32 @p2 $0x1  }
0x17: {  	s4 =	simm.s32 $0x1BF5;
	[smem:$0x3FBA] =	sst s0  }
0x18: {  	s0 =	sld [smem:$0x3F9D];
	_ =	swait.ge [sflag:s4], $0x0  }
0x19: {  	s7 =	sld [smem:$0x3F9E]  }
0x1a: {  	s8 =	sadd.s32 $0xFFFFE003, lr  }
0x1b: {  	s9 =	sadd.s32 $0xFFFFFEF7, lr;
	s5 =	simm.s32 $0xFFFFFFFF;
	p2 =	slt.u32 s8, $0xFFFFF086  }
0x1c: {  	p1 =	slt.u32 s9, $0xF7A;
	s5 =	simm.s32 @!p2 $0x0  }
0x1d: {  	s5 =	simm.s32 @p1 $0x1;
	p0 =	seq.s32 s7, s2  }
0x1e: {  	s7 =	smul.u32 @!p0 $0xF7A, s2;
	p2 =	seq.s32 @!p0 s5, $0x0  }
0x1f: {  	s9 =	smul.u32 $0xF7A, s1;
	s8 =	simm.s32 @!p0 $0x1BF5;
	p2 =	por !p2, p0  }
0x20: {  	[sflag:s8] =	ssyncset.s32 @!p0 $0xFFFFF086;
	s6 =	sadd.s32 @!p0 s3, s7;
	s7 =	simm.s32 @!p0 $0x108  }
0x21: {  	s3 =	sadd.s32 s3, s9;
	s6 =	sadd.s32 @!p0 $0x88, s6;
	s7 =	simm.s32 @p2 $0x1082  }
0x22: {  	[simem:s7], [sflag:s8] =	dma.local @!p0 [hbm:s6], $0xF7A  }
0x23: {  	s9 =	sor.u32 $0xD0000000, s2;
	s6 =	simm.s32 $0x108;
	_ =	swait.ge @!p0 [sflag:s8], $0x0  }
0x24: {  	s3 =	sadd.s32 $0x88, s3;
	s6 =	simm.s32 @!p1 $0x1082;
	[sflag:s4] =	ssyncset.s32 $0xFFFFF086  }
0x25: {  	[simem:s6], [sflag:s4] =	dma.local [hbm:s3], $0xF7A  }
0x26: {  	[smem:$0x3F9E] =	sst s1;
	(tag) =	ssettag s2;
	_ =	strace s9  }
0x27: {  	s1 =	sld [smem:$0x3FAE]  }
0x28: {  	s2 =	sld [smem:$0x3FAF]  }
0x29: {  	s4 =	sld [smem:$0x3FB1]  }
0x2a: {  	p0 =	seq.s32 s5, $0x0;
	s5 =	sld [smem:$0x3FB2]  }
0x2b: {  	s6 =	sld [smem:$0x3FB3]  }
0x2c: {  	s7 =	sld [smem:$0x3FB4]  }
0x2d: {  	s3 =	simm.s32 $0x108;
	s8 =	sld [smem:$0x3FB5]  }
0x2e: {  	s3 =	simm.s32 @!p0 $0x1082;
	s9 =	sld [smem:$0x3FB6]  }
0x2f: {  	lr =	sadd.s32 s0, s3;
	s0 =	sld [smem:$0x3FAD]  }
0x30: {  	s3 =	sld [smem:$0x3FB0]  }
0x31: {  	[smem:$0x3FB9] =	sst s10  }
0x32: {  	s10 =	sld [smem:$0x3FB7];
	_ =	sdelay $0x3  }
0x33: {  	p0 =	seq.s32 s10, $0x1;
	s10 =	sld [smem:$0x3FB9];
	_ =	sdelay $0x3  }
0x34: {  	[smem:$0x3FB9] =	sst s10  }
0x35: {  	s10 =	sld [smem:$0x3FB8];
	_ =	sdelay $0x3  }
0x36: {  	p1 =	seq.s32 s10, $0x1;
	s10 =	sld [smem:$0x3FB9];
	_ =	sdelay $0x3  }
0x37: {  	[smem:$0x3FB9] =	sst s10  }
0x38: {  	s10 =	sld [smem:$0x3FBA]  }
0x39: {  	_ = 	snop;
	(pc) =	sbr.ind lr, $3  }
0x3a: {  	_ = 	snop  }
0x3b: {  	_ = 	snop  }
0x3c: {  	p2 =	seq.s32 s10, $0x1;
	s10 =	sld [smem:$0x3FB9]  }
0x3d: {  	_ =	shalt  }
0x3e: {  	_ =	shalt  }
0x3f: {  	_ =	shalt  }
0x40: {  	_ =	shalt  }
0x41: {  	_ =	shalt  }
0x42: {  	_ =	shalt  }
0x43: {  	_ =	shalt  }
0x44: {  	_ =	shalt  }
0x45: {  	_ =	shalt  }
0x46: {  	_ =	shalt  }
0x47: {  	_ =	shalt  }
0x48: {  	_ =	shalt  }
0x49: {  	_ =	shalt  }
0x4a: {  	_ =	shalt  }
0x4b: {  	_ =	shalt  }
0x4c: {  	_ =	shalt  }
0x4d: {  	_ =	shalt  }
0x4e: {  	_ =	shalt  }
0x4f: {  	_ =	shalt  }
0x50: {  	_ =	shalt  }
0x51: {  	_ =	shalt  }
0x52: {  	_ =	shalt  }
0x53: {  	_ =	shalt  }
0x54: {  	_ =	shalt  }
0x55: {  	_ =	shalt  }
0x56: {  	_ =	shalt  }
0x57: {  	_ =	shalt  }
0x58: {  	_ =	shalt  }
0x59: {  	_ =	shalt  }
0x5a: {  	_ =	shalt  }
0x5b: {  	_ =	shalt  }
0x5c: {  	_ =	shalt  }
0x5d: {  	_ =	shalt  }
0x5e: {  	_ =	shalt  }
0x5f: {  	_ =	shalt  }
0x60: {  	_ =	shalt  }
0x61: {  	_ =	shalt  }
0x62: {  	_ =	shalt  }
0x63: {  	_ =	shalt  }
0x64: {  	_ =	shalt  }
0x65: {  	_ =	shalt  }
0x66: {  	_ =	shalt  }
0x67: {  	_ =	shalt  }
0x68: {  	_ =	shalt  }
0x69: {  	_ =	shalt  }
0x6a: {  	_ =	shalt  }
0x6b: {  	_ =	shalt  }
0x6c: {  	_ =	shalt  }
0x6d: {  	_ =	shalt  }
0x6e: {  	_ =	shalt  }
0x6f: {  	_ =	shalt  }
0x70: {  	_ =	shalt  }
0x71: {  	_ =	shalt  }
0x72: {  	_ =	shalt  }
0x73: {  	_ =	shalt  }
0x74: {  	_ =	shalt  }
0x75: {  	_ =	shalt  }
0x76: {  	_ =	shalt  }
0x77: {  	_ =	shalt  }
0x78: {  	_ =	shalt  }
0x79: {  	_ =	shalt  }
0x7a: {  	_ =	shalt  }
0x7b: {  	_ =	shalt  }
0x7c: {  	_ =	shalt  }
0x7d: {  	_ =	shalt  }
0x7e: {  	_ =	shalt  }
0x7f: {  	_ =	shalt  }
0x80: {  	_ =	shalt  }
0x81: {  	_ =	shalt  }
0x82: {  	_ =	shalt  }
0x83: {  	_ =	shalt  }
0x84: {  	_ =	shalt  }
0x85: {  	_ =	shalt  }
0x86: {  	_ =	shalt  }
0x87: {  	_ =	shalt  }
.Lfunc_end0:
.L_simem_size_0:
called_computation_lowered:
.L_overlay_start_0:
0x88: {  	s2 =	sld [smem:$0x3FD9]  }
0x89: {  	s3 =	sld [smem:$0x3FFE];
	_ =	sdelay $0x1  }
0x8a: {  	s1 =	srdreg.scid  }
0x8b: {  	s0 =	sand.u32 $0x1, s1  }
0x8c: {  	s17 =	sshll.u32 s0, $0xA;
	s2 =	sadd.s32 s3, s2  }
0x8d: {  	s2 =	sadd.s32 s2, s17  }
0x8e: {  	[smem:$0x3FC5] =	sst s2  }
0x8f: {  	_ = 	snop  }
0x90: {  	s2 =	sld [smem:$0x3FC9]  }
0x91: {  	s18 =	sld [smem:$0x3FD0];
	(tm) =	ssettm $0x1  }
0x92: {  	s4 =	sld [smem:$0x3FFB];
	_ =	sdelay $0x3  }
0x93: {  	_ =	strace s4  }
0x94: {  	s4 =	sld [smem:$0x3FFC];
	_ =	sdelay $0x3  }
0x95: {  	_ =	strace s4  }
0x96: {  	s4 =	sld [smem:$0x3FFD];
	_ =	sdelay $0x3  }
0x97: {  	_ =	strace s4  }
0x98: {  	_ =	strace $0x8FFFFFFF  }
0x99: {  	s19 =	sld [smem:$0x3FDB];
	_ =	sdelay $0x1  }
0x9a: {  	s5 =	simm.s32 $_scs_section_size  }
0x9b: {  	s6 =	simm.s32 $_size__tile_overlayer_lowered;
	s7 =	simm.s32 $_tile_overlayer_lowered  }
0x9c: {  	s22 =	simm.s32 $0x1BFF;
	s21 =	sshll.u32 s7, $0x1;
	s4 =	sadd.s32 s5, s19  }
0x9d: {  	s8 =	simm.s32 $0x0;
	s20 =	sshll.u32 s6, $0x1;
	s6 =	sadd.s32 s21, s4  }
0x9e: {  	[timem:s8], [sflag:s22] =	dma.local [hbm:s6], s20  }
0x9f: {  	_ =	swait.ge [sflag:s22], s20  }
0xa0: {  	s5 =	ssub.s32 $0x0, s20;
	[sflag:s22] =	ssyncset.done $0x0  }
0xa1: {  	[sflag:s22] =	ssyncadd.s32 s5;
	_ =	sdelay $0x1  }
0xa2: {  	s23 =	simm.s32 $0x1B8B  }
0xa3: {  	_ =	swait.ge [sflag:s23], $0x1  }
0xa4: {  	[sflag:s23] =	ssyncset.done $0x0  }
0xa5: {  	s25 =	simm.s32 $0x1B8E;
	s24 =	sld [smem:$0x3FFE];
	[sflag:s23] =	ssyncadd.s32 $0xFFFFFFFF  }
0xa6: {  	s26 =	simm.s32 $execute0_lowered;
	[smem:$0x3FD2] =	sst s25  }
0xa7: {  	s6 =	sshll.u32 s26, $0x1;
	_ =	strace $0x80000046;
	[dreg:$0x1] =	wrdreg $0xFFFFFFFF  }
0xa8: {  	s28 =	simm.s32 $_size_execute0_lowered;
	s4 =	sadd.s32 s4, s6;
	[dreg:$0x0] =	wrdreg $0x0  }
0xa9: {  	s6 =	sshll.u32 s28, $0x1;
	[dreg:$0x2] =	wrdreg s4  }
0xaa: {  	[dreg:$0x3] =	wrdreg s6  }
0xab: {  	[dreg:$0x4] =	wrdreg $0xC0  }
0xac: {  	_ =	task [dreg:s8], $0x5FFFF  }
0xad: {  	[dreg:$0x1] =	wrdreg $0xFFFFFFFF  }
0xae: {  	[dreg:$0x0] =	wrdreg $0x60  }
0xaf: {  	[dreg:$0x2] =	wrdreg s2  }
0xb0: {  	[dreg:$0x3] =	wrdreg s24  }
0xb1: {  	[dreg:$0x4] =	wrdreg s18  }
0xb2: {  	[dreg:$0x5] =	wrdreg $0x9  }
0xb3: {  	_ =	task.clear_ibuf [dreg:s8], $0x6FFFF;
	_ =	strace $0x90000046  }
0xb4: {  	s29 =	simm.s32 $0x9;
	_ =	strace $0x80000048  }
0xb5: {  	_ =	swait.ge [sflag:s29], $0x1  }
0xb6: {  	[sflag:s29] =	ssyncadd.s32 $0xFFFFFFFF  }
0xb7: {  	_ =	strace $0x90000048  }
0xb8: {  	_ =	sfence  }
0xb9: {  	s30 =	sld [smem:$0x0];
	_ =	sdelay $0x2  }
0xba: {  	s31 =	sshll.u32 s1, $0xD;
	s1 =	sshrl.u32 s1, $0x2  }
0xbb: {  	s3 =	sand.u32 $0x4000, s31;
	s1 =	sadd.s32 s1, s30  }
0xbc: {  	s0 =	sor.u32 s3, s0;
	s1 =	sshll.u32 s1, $0x11  }
0xbd: {  	s0 =	sor.u32 s1, s0  }
0xbe: {  	s0 =	sadd.s32 $0x8F2B, s0  }
0xbf: {  	[sflag:s0] =	ssyncadd.remote.s32 $0x1  }
0xc0: {  	_ =	sfence.sel $0xFFFF  }
0xc1: {  	[dreg:$0x0] =	wrdreg $0xFFFFFFFF;
	(pc) =	sbr.abs _section_cstart, $3  }
0xc2: {  	[dreg:$0x1] =	wrdreg $0xFFFFFFFF  }
0xc3: {  	_ =	task.clear_ibuf [dreg:s8], $0x2FFFF;
	_ =	strace $0x9FFFFFFF  }
0xc4: {  	(tm) =	ssettm $0x7FFFFFFF  }
0xc5: {  	_ =	shalt  }
tec
execute0_lowered:
.L_overlay_start_1:
0x0: {  	(tag) =	ssettag $0x1  }
0x1: {  	s0 =	rddreg [dreg:$0x0]  }
0x2: {  	s1 =	rddreg [dreg:$0x1]  }
0x3: {  	s3 =	srdreg.scid;
	s4 =	stileid.u32  }
0x4: {  	s2 =	rddreg [dreg:$0x2];
	s28 =	simm.s32 $0xE000;
	s6 =	sand.u32 $0x1, s3  }
0x5: {  	s4 =	sshll.u32 s4, $0x1;
	s3 =	simm.s32 $0x0;
	s5 =	sadd.s32 $0xC00, s1  }
0x6: {  	s13 =	sadd.s32 $0x400, s2;
	s14 =	sadd.s32 $0x800, s2;
	s15 =	sadd.s32 $0xC00, s2  }
0x7: {  	s16 =	sadd.s32 $0x1000, s2;
	s17 =	sadd.s32 $0x1400, s2;
	s18 =	sadd.s32 $0x1800, s2  }
0x8: {  	s19 =	sadd.s32 $0x1C00, s2;
	s8 =	sor.u32 s6, s4;
	[smem:$0x7FF] =	sst s3  }
0x9: {  	s9 =	ssub.s32 $0x2, s6;
	s4 =	smul.u32 $0x32, s8;
	_ =	strace $0x80000047  }
0xa: {  	s21 =	sshrl.u32 s9, $0x1;
	s23 =	sshll.u32 s8, $0xB;
	s8 =	smul.u32 $0xC80, s8  }
0xb: {  	s9 =	ssub.s32 s9, s21;
	s21 =	simm.s32 $0xB;
	s7 =	sand.u32 $0x7F8, s4  }
0xc: {  	s10 =	sshrl.u32 s4, $0x6;
	s24 =	sadd.s32 $0x2, s4;
	s25 =	sshll.u32 s4, $0x4  }
0xd: {  	s8 =	sand.u32 $0xE00, s8;
	s31 =	smax.u32 s9, $0x1;
	s1 =	sadd.s32 s7, s1  }
0xe: {  	s6 =	smin.u32 s10, $0x17;
	s26 =	sshrl.u32 s24, $0x6;
	s8 =	sshrl.u32 s8, $0x2  }
0xf: {  	s12 =	sshll.u32 s24, $0xA;
	[dreg:$0x9] =	wrdreg s31;
	s11 =	sshll.u32 s6, $0xA  }
0x10: {  	s10 =	ssub.s32 s10, s6;
	s1 =	sadd.s32 $0x400, s1;
	s12 =	sand.u32 $0x1800, s12  }
0x11: {  	s0 =	sadd.s32 s0, s11;
	s22 =	sshll.u32 s10, $0xF;
	[dreg:$0x5] =	wrdreg s1  }
0x12: {  	s1 =	sand.u32 $0x1800, s23;
	s11 =	ssub.s32 s26, s6;
	s10 =	sshll.u32 s24, $0x4  }
0x13: {  	v0 =	vlaneseq.u32;
	[dreg:$0x4] =	wrdreg s0;
	s0 =	sshra.s32 s22, $0x2;
	s11 =	sshll.u32 s11, $0xF  }
0x14: {  	v0 =	vmul.u32 $0x41, v0;
	s10 =	sand.u32 $0x380, s10;
	s0 =	sor.u32 s1, s0;
	s1 =	sand.u32 $0x380, s25  }
0x15: {  	s11 =	sshra.s32 s11, $0x2;
	s8 =	sor.u32 s8, s0;
	s0 =	sor.u32 s1, s0  }
0x16: {  	v1 =	vadd.s32 $0x410, v0;
	s11 =	sor.u32 s12, s11;
	[dreg:$0x6] =	wrdreg s0;
	s29 =	sor.u32 $0x400, s8  }
0x17: {  	v2 =	vadd.s32 $0x820, v0;
	v3 =	vadd.s32 $0xC30, v0;
	v4 =	vadd.s32 $0x1040, v0;
	s7 =	sshrl.u32 s4, $0x3;
	s30 =	sor.u32 s10, s11;
	[dreg:$0x7] =	wrdreg s29  }
0x18: {  	v5 =	vadd.s32 $0x1450, v0;
	v6 =	vadd.s32 $0x1860, v0;
	v7 =	vadd.s32 $0x1C70, v0;
	s22 =	simm.s32 $0x0;
	s0 =	simm.s32 $0xA;
	[dreg:$0x8] =	wrdreg s30  }
.LBB2_1:
0x19: {  	s1 =	rddreg [dreg:$0x4]  }
0x1a: {  	[tilespmem:s3], [sflag:$0xB] =	stream.linear.gather [hbm4b:s1+s3], $0x4000, $0x38;
	[tilespmem:$0x1A280] =	vst v63  }
0x1b: {  	_ =	swait.ge [sflag:s21], $0x4000  }
0x1c: {  	[sflag:s21] =	ssyncset.done $0x0  }
0x1d: {  	s8 =	simm.s32 $0x1A080;
	s20 =	rddreg [dreg:$0x5];
	[sflag:s21] =	ssyncadd.s32 $0xFFFFC000  }
0x1e: {  	[tilespmem:s8], [sflag:$0xB] =	stream.linear.gather [hbm4b:s20+s3], $0x200, $0x38;
	[tilespmem:$0x1A280] =	vst v63  }
0x1f: {  	_ =	swait.ge [sflag:s21], $0x200  }
0x20: {  	s24 =	simm.s32 $0x80;
	s9 =	simm.s32 $0x4000;
	[sflag:s21] =	ssyncset.done $0x0  }
0x21: {  	s26 =	simm.s32 $0x6000;
	s23 =	rddreg [dreg:$0x6];
	[sflag:s21] =	ssyncadd.s32 $0xFFFFFE00  }
0x22: {  	[tilespmem:s9], [sflag:$0x1] =	stream.indirect.gather [hbm4b:s5+s24], $0x40, s23, s24, $0xb8;
	[tilespmem:$0x1A280] =	vst v63  }
0x23: {  	s30 =	simm.s32 $0x8000;
	s31 =	simm.s32 $0x41F0;
	s25 =	rddreg [dreg:$0x7]  }
0x24: {  	[tilespmem:s26], [sflag:$0x2] =	stream.indirect.gather [hbm4b:s5+s24], $0x40, s25, s24, $0xb8;
	[tilespmem:$0x1A280] =	vst v63  }
0x25: {  	s29 =	rddreg [dreg:$0x8];
	s25 =	simm.s32 $0x10100;
	s26 =	simm.s32 $0x0  }
0x26: {  	[tilespmem:s30], [sflag:$0x3] =	stream.indirect.gather [hbm4b:s5+s24], $0x40, s29, s24, $0xb8;
	[tilespmem:$0x1A280] =	vst v63  }
.LBB2_2:
0x27: {  	s8 =	smul.u32 $0xCD, s26;
	_ =	sdelay $0x1  }
0x28: {  	s9 =	sadd.s32 $0x267, s8  }
0x29: {  	s9 =	sshrl.u32 s9, $0xA  }
0x2a: {  	s9 =	sand.u32 $0x3F, s9  }
0x2b: {  	s9 =	smul.u32 $0x5, s9  }
0x2c: {  	s10 =	sadd.s32 $0x3, s26;
	p0 =	sgt.u32 s26, $0x2E  }
0x2d: {  	p1 =	slt.u32 @!p0 s26, $0x2;
	s9 =	ssub.s32 s10, s9  }
0x2e: {  	s8 =	sshrl.u32 s8, $0xA;
	p1 =	por p1, p0;
	s9 =	sand.u32 $0xFF, s9  }
0x2f: {  	s8 =	sand.u32 $0x3F, s8;
	s11 =	sadd.s32 @!p1 $0x6, s9  }
0x30: {  	s8 =	smul.u32 $0x5, s8;
	s10 =	sadd.s32 @!p0 s4, s10;
	_ =	swait.ge @!p1 [sflag:s11], $0x2000  }
0x31: {  	s12 =	sshrl.u32 @!p0 s10, $0x6;
	[sflag:s11] =	ssyncset.done @!p1 $0x0  }
0x32: {  	s8 =	ssub.s32 s26, s8;
	[sflag:s11] =	ssyncadd.s32 @!p1 $0xFFFFE000;
	s11 =	ssub.s32 @!p0 s12, s6  }
0x33: {  	s20 =	sshll.u32 @!p0 s10, $0xA;
	s10 =	sshll.u32 @!p0 s10, $0x4;
	s11 =	sshll.u32 @!p0 s11, $0xF  }
0x34: {  	s20 =	sand.u32 @!p0 $0x1C00, s20;
	s10 =	sand.u32 @!p0 $0x380, s10;
	s11 =	sshra.s32 @!p0 s11, $0x2  }
0x35: {  	s12 =	sshll.u32 @!p0 s9, $0xD;
	s9 =	sadd.s32 @!p0 $0x1, s9;
	s11 =	sor.u32 @!p0 s20, s11  }
0x36: {  	s12 =	sadd.s32 @!p0 $0x4000, s12;
	s10 =	sor.u32 @!p0 s10, s11;
	s11 =	simm.s32 @!p0 $0x80  }
0x37: {  	[tilespmem:s12], [sflag:s9] =	stream.indirect.gather @!p0 [hbm4b:s5+s11], $0x40, s10, s11, $0xb8;
	[tilespmem:$0x1A280] =	vst v63  }
0x38: {  	s8 =	sand.u32 $0xFF, s8;
	s9 =	sadd.s32 s4, s26  }
0x39: {  	s1 =	sadd.s32 $0x1, s8;
	s10 =	sshrl.u32 s9, $0x3  }
0x3a: {  	s24 =	smulhi.u32 $0xCCCCCCCD, s26;
	_ =	swait.ge [sflag:s1], $0x2000;
	s20 =	ssub.s32 s10, s7  }
0x3b: {  	[sflag:s1] =	ssyncset.done $0x0;
	s12 =	sshll.u32 s20, $0x8  }
0x3c: {  	[sflag:s1] =	ssyncadd.s32 $0xFFFFE000;
	s23 =	sshra.s32 s12, $0x2;
	s12 =	sshrl.u32 s24, $0x2  }
0x3d: {  	v10 =	vld [tilespmem:s23+$0x1A080];
	s12 =	smul.u32 $0xFFFD8000, s12  }
0x3e: {  	v8 =	vld [tilespmem:s23+$0x1A090]  }
0x3f: {  	v9 =	vld [tilespmem:s23+$0x1A0A0];
	s12 =	sshra.s32 s12, $0x2  }
0x40: {  	v11 =	vld [tilespmem:s23+$0x1A0B0];
	s20 =	sadd.s32 s12, s31  }
0x41: {  	v12 =	vld [tilespmem:s20+$0xFFFFFE30]  }
0x42: {  	v13 =	vld [tilespmem:s20+$0xFFFFFE20]  }
0x43: {  	v14 =	vld [tilespmem:s20+$0xFFFFFE10]  }
0x44: {  	v15 =	vld [tilespmem:s20+$0xFFFFFE40];
	_ =	sdelay $0x1  }
0x45: {  	v12 =	vadd.f32 v12, v9  }
0x46: {  	s23 =	simm.s32 $0xE104;
	v13 =	vadd.f32 v13, v8  }
0x47: {  	[tilespmem:s23+$0xFFFFFF1C] =	vst v12;
	v12 =	vadd.f32 v14, v10  }
0x48: {  	v14 =	vadd.f32 v15, v11;
	[tilespmem:s23+$0xFFFFFF0C] =	vst v13  }
0x49: {  	[tilespmem:s23+$0xFFFFFEFC] =	vst v12  }
0x4a: {  	[tilespmem:s23+$0xFFFFFF2C] =	vst v14  }
0x4b: {  	v12 =	vld [tilespmem:s20+$0xFFFFFE70]  }
0x4c: {  	v13 =	vld [tilespmem:s20+$0xFFFFFE50]  }
0x4d: {  	v14 =	vld [tilespmem:s20+$0xFFFFFE60]  }
0x4e: {  	v15 =	vld [tilespmem:s20+$0xFFFFFE80];
	_ =	sdelay $0x1  }
0x4f: {  	v12 =	vadd.f32 v12, v9  }
0x50: {  	v13 =	vadd.f32 v13, v10  }
0x51: {  	v14 =	vadd.f32 v14, v8;
	[tilespmem:s23+$0xFFFFFF5D] =	vst v12  }
0x52: {  	v12 =	vadd.f32 v15, v11;
	[tilespmem:s23+$0xFFFFFF3D] =	vst v13  }
0x53: {  	[tilespmem:s23+$0xFFFFFF4D] =	vst v14  }
0x54: {  	[tilespmem:s23+$0xFFFFFF6D] =	vst v12  }
0x55: {  	v12 =	vld [tilespmem:s20+$0xFFFFFEB0]  }
0x56: {  	v13 =	vld [tilespmem:s20+$0xFFFFFEC0]  }
0x57: {  	v14 =	vld [tilespmem:s20+$0xFFFFFEA0]  }
0x58: {  	v15 =	vld [tilespmem:s20+$0xFFFFFE90];
	_ =	sdelay $0x1  }
0x59: {  	v12 =	vadd.f32 v12, v9  }
0x5a: {  	v13 =	vadd.f32 v13, v11  }
0x5b: {  	v14 =	vadd.f32 v14, v8;
	[tilespmem:s23+$0xFFFFFF9E] =	vst v12  }
0x5c: {  	v12 =	vadd.f32 v15, v10;
	[tilespmem:s23+$0xFFFFFFAE] =	vst v13  }
0x5d: {  	[tilespmem:s23+$0xFFFFFF8E] =	vst v14  }
0x5e: {  	[tilespmem:s23+$0xFFFFFF7E] =	vst v12  }
0x5f: {  	v12 =	vld [tilespmem:s20+$0xFFFFFEF0]  }
0x60: {  	v13 =	vld [tilespmem:s20+$0xFFFFFED0]  }
0x61: {  	v14 =	vld [tilespmem:s20+$0xFFFFFEE0]  }
0x62: {  	v15 =	vld [tilespmem:s20+$0xFFFFFF00];
	_ =	sdelay $0x1  }
0x63: {  	v12 =	vadd.f32 v12, v9  }
0x64: {  	v13 =	vadd.f32 v13, v10  }
0x65: {  	v14 =	vadd.f32 v14, v8;
	[tilespmem:s23+$0xFFFFFFDF] =	vst v12  }
0x66: {  	v12 =	vadd.f32 v15, v11;
	[tilespmem:s23+$0xFFFFFFBF] =	vst v13  }
0x67: {  	[tilespmem:s23+$0xFFFFFFCF] =	vst v14  }
0x68: {  	[tilespmem:s23+$0xFFFFFFEF] =	vst v12  }
0x69: {  	v12 =	vld [tilespmem:s20+$0xFFFFFF40]  }
0x6a: {  	s30 =	simm.s32 $0x0;
	v13 =	vld [tilespmem:s20+$0xFFFFFF20]  }
0x6b: {  	s29 =	simm.s32 $0xE104;
	s11 =	sshll.u32 s8, $0xF;
	s24 =	smov.u32 s31;
	v14 =	vld [tilespmem:s20+$0xFFFFFF30]  }
.LBB2_3:
0x6c: {  	s30 =	sadd.s32 $0x8, s30;
	v15 =	vld [tilespmem:s20+$0xFFFFFF10];
	s24 =	sadd.s32 $0x200, s24;
	s23 =	sadd.s32 $0x208, s23  }
0x6d: {  	p0 =	slt.u32 s30, $0x78  }
0x6e: {  	v12 =	vadd.f32 v12, v11  }
0x6f: {  	v13 =	vadd.f32 v13, v8  }
0x70: {  	v14 =	vadd.f32 v14, v9;
	[tilespmem:s29+$0x30] =	vst v12  }
0x71: {  	v12 =	vadd.f32 v15, v10;
	[tilespmem:s29+$0x10] =	vst v13  }
0x72: {  	[tilespmem:s29+$0x20] =	vst v14  }
0x73: {  	[tilespmem:s29+$0x0] =	vst v12  }
0x74: {  	v12 =	vld [tilespmem:s20+$0xFFFFFF50]  }
0x75: {  	v13 =	vld [tilespmem:s20+$0xFFFFFF70]  }
0x76: {  	v14 =	vld [tilespmem:s20+$0xFFFFFF80];
	_ =	sdelay $0x1  }
0x77: {  	v15 =	vld [tilespmem:s20+$0xFFFFFF60]  }
0x78: {  	v12 =	vadd.f32 v12, v10  }
0x79: {  	v13 =	vadd.f32 v13, v9  }
0x7a: {  	v14 =	vadd.f32 v14, v11;
	[tilespmem:s29+$0x41] =	vst v12  }
0x7b: {  	[tilespmem:s29+$0x61] =	vst v13  }
0x7c: {  	v12 =	vadd.f32 v15, v8;
	[tilespmem:s29+$0x71] =	vst v14;
	_ =	sdelay $0x1  }
0x7d: {  	[tilespmem:s29+$0x51] =	vst v12  }
0x7e: {  	v12 =	vld [tilespmem:s20+$0xFFFFFF90]  }
0x7f: {  	v13 =	vld [tilespmem:s20+$0xFFFFFFA0]  }
0x80: {  	v14 =	vld [tilespmem:s20+$0xFFFFFFB0]  }
0x81: {  	v15 =	vld [tilespmem:s20+$0xFFFFFFC0];
	_ =	sdelay $0x1  }
0x82: {  	v12 =	vadd.f32 v12, v10  }
0x83: {  	s1 =	sadd.s32 s12, s24;
	v13 =	vadd.f32 v13, v8  }
0x84: {  	v14 =	vadd.f32 v14, v9;
	[tilespmem:s29+$0x82] =	vst v12  }
0x85: {  	v12 =	vadd.f32 v15, v11;
	[tilespmem:s29+$0x92] =	vst v13  }
0x86: {  	[tilespmem:s29+$0xA2] =	vst v14  }
0x87: {  	[tilespmem:s29+$0xB2] =	vst v12  }
0x88: {  	v12 =	vld [tilespmem:s20+$0xFFFFFFD0]  }
0x89: {  	v13 =	vld [tilespmem:s20+$0x0]  }
0x8a: {  	v14 =	vld [tilespmem:s20+$0xFFFFFFE0]  }
0x8b: {  	v15 =	vld [tilespmem:s20+$0xFFFFFFF0];
	s20 =	smov.u32 s1;
	_ =	sdelay $0x1  }
0x8c: {  	v12 =	vadd.f32 v12, v10  }
0x8d: {  	v13 =	vadd.f32 v13, v11  }
0x8e: {  	v14 =	vadd.f32 v14, v8;
	[tilespmem:s29+$0xC3] =	vst v12  }
0x8f: {  	v12 =	vadd.f32 v15, v9;
	[tilespmem:s29+$0xF3] =	vst v13  }
0x90: {  	[tilespmem:s29+$0xD3] =	vst v14  }
0x91: {  	[tilespmem:s29+$0xE3] =	vst v12;
	s29 =	smov.u32 s23  }
0x92: {  	v12 =	vld [tilespmem:s20+$0xFFFFFE30];
	_ =	sdelay $0x1  }
0x93: {  	v13 =	vld [tilespmem:s20+$0xFFFFFE20]  }
0x94: {  	v14 =	vld [tilespmem:s20+$0xFFFFFE10]  }
0x95: {  	v15 =	vld [tilespmem:s20+$0xFFFFFE40]  }
0x96: {  	v12 =	vadd.f32 v12, v9;
	_ =	sdelay $0x1  }
0x97: {  	v13 =	vadd.f32 v13, v8;
	[tilespmem:s23+$0xFFFFFF1C] =	vst v12  }
0x98: {  	v12 =	vadd.f32 v14, v10  }
0x99: {  	v14 =	vadd.f32 v15, v11;
	[tilespmem:s23+$0xFFFFFF0C] =	vst v13  }
0x9a: {  	[tilespmem:s23+$0xFFFFFEFC] =	vst v12  }
0x9b: {  	[tilespmem:s23+$0xFFFFFF2C] =	vst v14  }
0x9c: {  	v12 =	vld [tilespmem:s20+$0xFFFFFE70]  }
0x9d: {  	v13 =	vld [tilespmem:s20+$0xFFFFFE50]  }
0x9e: {  	v14 =	vld [tilespmem:s20+$0xFFFFFE60]  }
0x9f: {  	v15 =	vld [tilespmem:s20+$0xFFFFFE80];
	_ =	sdelay $0x1  }
0xa0: {  	v12 =	vadd.f32 v12, v9  }
0xa1: {  	v13 =	vadd.f32 v13, v10  }
0xa2: {  	v14 =	vadd.f32 v14, v8;
	[tilespmem:s23+$0xFFFFFF5D] =	vst v12  }
0xa3: {  	v12 =	vadd.f32 v15, v11;
	[tilespmem:s23+$0xFFFFFF3D] =	vst v13  }
0xa4: {  	[tilespmem:s23+$0xFFFFFF4D] =	vst v14  }
0xa5: {  	[tilespmem:s23+$0xFFFFFF6D] =	vst v12  }
0xa6: {  	v12 =	vld [tilespmem:s20+$0xFFFFFEB0]  }
0xa7: {  	v13 =	vld [tilespmem:s20+$0xFFFFFEC0]  }
0xa8: {  	v14 =	vld [tilespmem:s20+$0xFFFFFEA0]  }
0xa9: {  	v15 =	vld [tilespmem:s20+$0xFFFFFE90];
	_ =	sdelay $0x1  }
0xaa: {  	v12 =	vadd.f32 v12, v9  }
0xab: {  	v13 =	vadd.f32 v13, v11  }
0xac: {  	v14 =	vadd.f32 v14, v8;
	[tilespmem:s23+$0xFFFFFF9E] =	vst v12  }
0xad: {  	v12 =	vadd.f32 v15, v10;
	[tilespmem:s23+$0xFFFFFFAE] =	vst v13  }
0xae: {  	[tilespmem:s23+$0xFFFFFF8E] =	vst v14  }
0xaf: {  	[tilespmem:s23+$0xFFFFFF7E] =	vst v12  }
0xb0: {  	v12 =	vld [tilespmem:s20+$0xFFFFFEF0]  }
0xb1: {  	v13 =	vld [tilespmem:s20+$0xFFFFFED0]  }
0xb2: {  	v14 =	vld [tilespmem:s20+$0xFFFFFEE0]  }
0xb3: {  	v15 =	vld [tilespmem:s20+$0xFFFFFF00];
	_ =	sdelay $0x1  }
0xb4: {  	v12 =	vadd.f32 v12, v9  }
0xb5: {  	v13 =	vadd.f32 v13, v10  }
0xb6: {  	v14 =	vadd.f32 v14, v8;
	[tilespmem:s23+$0xFFFFFFDF] =	vst v12  }
0xb7: {  	v12 =	vadd.f32 v15, v11;
	[tilespmem:s23+$0xFFFFFFBF] =	vst v13  }
.Ltmp0:
0xb8: {  	[tilespmem:s23+$0xFFFFFFCF] =	vst v14;
	(pc) =	sbr.rel @p0 .LBB2_3-.Ltmp0, $4  }
0xb9: {  	[tilespmem:s23+$0xFFFFFFEF] =	vst v12  }
0xba: {  	v12 =	vld [tilespmem:s20+$0xFFFFFF40]  }
0xbb: {  	v13 =	vld [tilespmem:s20+$0xFFFFFF20]  }
0xbc: {  	v14 =	vld [tilespmem:s20+$0xFFFFFF30]  }
0xbd: {  	v15 =	vld [tilespmem:s20+$0xFFFFFF10];
	_ =	sdelay $0x1  }
0xbe: {  	v12 =	vadd.f32 v12, v11  }
0xbf: {  	v13 =	vadd.f32 v13, v8  }
0xc0: {  	v14 =	vadd.f32 v14, v9;
	[tilespmem:s29+$0x30] =	vst v12  }
0xc1: {  	v12 =	vadd.f32 v15, v10;
	[tilespmem:s29+$0x10] =	vst v13  }
0xc2: {  	[tilespmem:s29+$0x20] =	vst v14  }
0xc3: {  	[tilespmem:s29+$0x0] =	vst v12  }
0xc4: {  	v12 =	vld [tilespmem:s20+$0xFFFFFF50]  }
0xc5: {  	v13 =	vld [tilespmem:s20+$0xFFFFFF70]  }
0xc6: {  	v14 =	vld [tilespmem:s20+$0xFFFFFF80]  }
0xc7: {  	v15 =	vld [tilespmem:s20+$0xFFFFFF60];
	_ =	sdelay $0x1  }
0xc8: {  	v12 =	vadd.f32 v12, v10  }
0xc9: {  	v13 =	vadd.f32 v13, v9  }
0xca: {  	v14 =	vadd.f32 v14, v11;
	[tilespmem:s29+$0x41] =	vst v12  }
0xcb: {  	[tilespmem:s29+$0x61] =	vst v13;
	v12 =	vadd.f32 v15, v8  }
0xcc: {  	[tilespmem:s29+$0x71] =	vst v14  }
0xcd: {  	[tilespmem:s29+$0x51] =	vst v12  }
0xce: {  	v12 =	vld [tilespmem:s20+$0xFFFFFF90]  }
0xcf: {  	v13 =	vld [tilespmem:s20+$0xFFFFFFA0]  }
0xd0: {  	v14 =	vld [tilespmem:s20+$0xFFFFFFB0]  }
0xd1: {  	v15 =	vld [tilespmem:s20+$0xFFFFFFC0];
	_ =	sdelay $0x1  }
0xd2: {  	v12 =	vadd.f32 v12, v10  }
0xd3: {  	v13 =	vadd.f32 v13, v8  }
0xd4: {  	v14 =	vadd.f32 v14, v9;
	[tilespmem:s29+$0x82] =	vst v12  }
0xd5: {  	v12 =	vadd.f32 v15, v11;
	[tilespmem:s29+$0x92] =	vst v13  }
0xd6: {  	[tilespmem:s29+$0xA2] =	vst v14  }
0xd7: {  	[tilespmem:s29+$0xB2] =	vst v12  }
0xd8: {  	v12 =	vld [tilespmem:s20+$0xFFFFFFD0]  }
0xd9: {  	v13 =	vld [tilespmem:s20+$0x0]  }
0xda: {  	v14 =	vld [tilespmem:s20+$0xFFFFFFE0]  }
0xdb: {  	v15 =	vld [tilespmem:s20+$0xFFFFFFF0];
	_ =	sdelay $0x1  }
0xdc: {  	s23 =	simm.s32 $0x0;
	v10 =	vadd.f32 v12, v10  }
0xdd: {  	v16 =	vadd.s32 s23, v7;
	v11 =	vadd.f32 v13, v11  }
0xde: {  	v8 =	vadd.f32 v14, v8;
	v12 =	vadd.s32 s23, v2;
	[tilespmem:s29+$0xC3] =	vst v10  }
0xdf: {  	v9 =	vadd.f32 v15, v9;
	[tilespmem:s29+$0xF3] =	vst v11;
	v11 =	vadd.s32 s23, v0  }
0xe0: {  	[tilespmem:s29+$0xD3] =	vst v8;
	v10 =	vadd.s32 s23, v1  }
0xe1: {  	v13 =	vadd.s32 s23, v6;
	[tilespmem:s29+$0xE3] =	vst v9  }
0xe2: {  	v9 =	vadd.s32 s23, v3;
	v16 =	vld.idx.msk [tilespmem:v16+s28+$0x0], $0xffff  }
0xe3: {  	v14 =	vadd.s32 s23, v4;
	v12 =	vld.idx.msk [tilespmem:v12+s28+$0x0], $0xffff  }
0xe4: {  	v15 =	vadd.s32 s23, v5;
	v8 =	vmov s12;
	v11 =	vld.idx.msk [tilespmem:v11+s28+$0x0], $0xffff  }
0xe5: {  	v10 =	vld.idx.msk [tilespmem:v10+s28+$0x0], $0xffff  }
0xe6: {  	v13 =	vld.idx.msk [tilespmem:v13+s28+$0x0], $0xffff  }
0xe7: {  	v9 =	vld.idx.msk [tilespmem:v9+s28+$0x0], $0xffff  }
0xe8: {  	v14 =	vld.idx.msk [tilespmem:v14+s28+$0x0], $0xffff  }
0xe9: {  	v15 =	vld.idx.msk [tilespmem:v15+s28+$0x0], $0xffff;
	[tilespmem:v8+s25+$0xFFFFFF80 ss:$0x1] =	vst.idx.msk $0xffff, v11  }
0xea: {  	[tilespmem:v8+s25+$0xFFFFFF90 ss:$0x1] =	vst.idx.msk $0xffff, v10  }
0xeb: {  	s1 =	simm.s32 $0x1;
	[tilespmem:v8+s25+$0xFFFFFFA0 ss:$0x1] =	vst.idx.msk $0xffff, v12  }
0xec: {  	[tilespmem:v8+s25+$0xFFFFFFB0 ss:$0x1] =	vst.idx.msk $0xffff, v9;
	v9 =	vadd.s32 s1, v0  }
0xed: {  	v10 =	vadd.s32 s1, v4;
	[tilespmem:v8+s25+$0xFFFFFFC0 ss:$0x1] =	vst.idx.msk $0xffff, v14  }
0xee: {  	v12 =	vadd.s32 s1, v7;
	[tilespmem:v8+s25+$0xFFFFFFD0 ss:$0x1] =	vst.idx.msk $0xffff, v15  }
0xef: {  	[tilespmem:v8+s25+$0xFFFFFFE0 ss:$0x1] =	vst.idx.msk $0xffff, v13;
	v13 =	vadd.s32 s1, v1  }
0xf0: {  	v14 =	vadd.s32 s1, v2;
	[tilespmem:v8+s25+$0xFFFFFFF0 ss:$0x1] =	vst.idx.msk $0xffff, v16  }
0xf1: {  	v17 =	vadd.s32 s1, v3;
	v11 =	vld.idx.msk [tilespmem:v9+s28+$0x0], $0xffff  }
0xf2: {  	v10 =	vld.idx.msk [tilespmem:v10+s28+$0x0], $0xffff  }
0xf3: {  	v16 =	vadd.s32 s1, v6;
	v9 =	vld.idx.msk [tilespmem:v12+s28+$0x0], $0xffff  }
0xf4: {  	s11 =	sshrl.u32 s11, $0x2;
	v15 =	vadd.s32 s1, v5;
	v12 =	vld.idx.msk [tilespmem:v13+s28+$0x0], $0xffff  }
0xf5: {  	s24 =	smov.u32 s25;
	s20 =	sadd.s32 $0x10080, s11;
	v13 =	vld.idx.msk [tilespmem:v14+s28+$0x0], $0xffff  }
0xf6: {  	s12 =	simm.s32 $0x2;
	s29 =	simm.s32 $0x4;
	s23 =	smov.u32 s25;
	v14 =	vld.idx.msk [tilespmem:v17+s28+$0x0], $0xffff  }
.LBB2_5:
0xf7: {  	p0 =	slt.u32 s29, $0x3E  }
0xf8: {  	v17 =	vadd.s32 s12, v0;
	v16 =	vld.idx.msk [tilespmem:v16+s28+$0x0], $0xffff;
	s23 =	sadd.s32 $0x100, s23;
	s1 =	smov.u32 s29;
	s29 =	sadd.s32 $0x2, s29  }
0xf9: {  	v15 =	vld.idx.msk [tilespmem:v15+s28+$0x0], $0xffff  }
0xfa: {  	[tilespmem:v8+s24+$0x0 ss:$0x1] =	vst.idx.msk $0xffff, v11  }
0xfb: {  	[tilespmem:v8+s24+$0x10 ss:$0x1] =	vst.idx.msk $0xffff, v12  }
0xfc: {  	[tilespmem:v8+s24+$0x20 ss:$0x1] =	vst.idx.msk $0xffff, v13  }
0xfd: {  	v11 =	vadd.s32 s12, v3;
	[tilespmem:v8+s24+$0x30 ss:$0x1] =	vst.idx.msk $0xffff, v14  }
0xfe: {  	v12 =	vadd.s32 s12, v1;
	[tilespmem:v8+s24+$0x40 ss:$0x1] =	vst.idx.msk $0xffff, v10  }
0xff: {  	[tilespmem:v8+s24+$0x50 ss:$0x1] =	vst.idx.msk $0xffff, v15  }
0x100: {  	v10 =	vadd.s32 s12, v2;
	[tilespmem:v8+s24+$0x60 ss:$0x1] =	vst.idx.msk $0xffff, v16  }
0x101: {  	v13 =	vadd.s32 s12, v6;
	[tilespmem:v8+s24+$0x70 ss:$0x1] =	vst.idx.msk $0xffff, v9;
	s24 =	smov.u32 s23  }
0x102: {  	v9 =	vld.idx.msk [tilespmem:v11+s28+$0x0], $0xffff;
	v11 =	vadd.s32 s12, v4  }
0x103: {  	v14 =	vadd.s32 s12, v5;
	v12 =	vld.idx.msk [tilespmem:v12+s28+$0x0], $0xffff  }
0x104: {  	v16 =	vadd.s32 s12, v7;
	v15 =	vld.idx.msk [tilespmem:v17+s28+$0x0], $0xffff  }
0x105: {  	v10 =	vld.idx.msk [tilespmem:v10+s28+$0x0], $0xffff  }
0x106: {  	v13 =	vld.idx.msk [tilespmem:v13+s28+$0x0], $0xffff  }
0x107: {  	v11 =	vld.idx.msk [tilespmem:v11+s28+$0x0], $0xffff  }
0x108: {  	v14 =	vld.idx.msk [tilespmem:v14+s28+$0x0], $0xffff  }
0x109: {  	v16 =	vld.idx.msk [tilespmem:v16+s28+$0x0], $0xffff  }
0x10a: {  	[tilespmem:v8+s23+$0xFFFFFF80 ss:$0x1] =	vst.idx.msk $0xffff, v15  }
0x10b: {  	[tilespmem:v8+s23+$0xFFFFFF90 ss:$0x1] =	vst.idx.msk $0xffff, v12  }
0x10c: {  	s30 =	sadd.s32 $0x1, s12;
	s12 =	smov.u32 s1;
	[tilespmem:v8+s23+$0xFFFFFFA0 ss:$0x1] =	vst.idx.msk $0xffff, v10  }
0x10d: {  	[tilespmem:v8+s23+$0xFFFFFFB0 ss:$0x1] =	vst.idx.msk $0xffff, v9;
	v9 =	vadd.s32 s30, v0  }
0x10e: {  	v10 =	vadd.s32 s30, v4;
	[tilespmem:v8+s23+$0xFFFFFFC0 ss:$0x1] =	vst.idx.msk $0xffff, v11  }
0x10f: {  	v12 =	vadd.s32 s30, v7;
	[tilespmem:v8+s23+$0xFFFFFFD0 ss:$0x1] =	vst.idx.msk $0xffff, v14  }
0x110: {  	[tilespmem:v8+s23+$0xFFFFFFE0 ss:$0x1] =	vst.idx.msk $0xffff, v13;
	v13 =	vadd.s32 s30, v1  }
0x111: {  	v14 =	vadd.s32 s30, v2;
	[tilespmem:v8+s23+$0xFFFFFFF0 ss:$0x1] =	vst.idx.msk $0xffff, v16  }
0x112: {  	v17 =	vadd.s32 s30, v3;
	v11 =	vld.idx.msk [tilespmem:v9+s28+$0x0], $0xffff  }
.Ltmp1:
0x113: {  	v16 =	vadd.s32 s30, v6;
	v10 =	vld.idx.msk [tilespmem:v10+s28+$0x0], $0xffff;
	(pc) =	sbr.rel @p0 .LBB2_5-.Ltmp1, $4  }
0x114: {  	v15 =	vadd.s32 s30, v5;
	v9 =	vld.idx.msk [tilespmem:v12+s28+$0x0], $0xffff  }
0x115: {  	v12 =	vld.idx.msk [tilespmem:v13+s28+$0x0], $0xffff  }
0x116: {  	v13 =	vld.idx.msk [tilespmem:v14+s28+$0x0], $0xffff  }
0x117: {  	v14 =	vld.idx.msk [tilespmem:v17+s28+$0x0], $0xffff  }
0x118: {  	_ =	sdelay $0x3  }
0x119: {  	v16 =	vld.idx.msk [tilespmem:v16+s28+$0x0], $0xffff  }
0x11a: {  	v15 =	vld.idx.msk [tilespmem:v15+s28+$0x0], $0xffff;
	[tilespmem:v8+s24+$0x0 ss:$0x1] =	vst.idx.msk $0xffff, v11  }
0x11b: {  	[tilespmem:v8+s24+$0x10 ss:$0x1] =	vst.idx.msk $0xffff, v12  }
0x11c: {  	[tilespmem:v8+s24+$0x20 ss:$0x1] =	vst.idx.msk $0xffff, v13  }
0x11d: {  	v48 =	vadd.s32 s12, v3;
	[tilespmem:v8+s24+$0x30 ss:$0x1] =	vst.idx.msk $0xffff, v14  }
0x11e: {  	v49 =	vadd.s32 s12, v1;
	[tilespmem:v8+s24+$0x40 ss:$0x1] =	vst.idx.msk $0xffff, v10  }
0x11f: {  	v50 =	vadd.s32 s12, v0;
	[tilespmem:v8+s24+$0x50 ss:$0x1] =	vst.idx.msk $0xffff, v15  }
0x120: {  	v51 =	vadd.s32 s12, v2;
	[tilespmem:v8+s24+$0x60 ss:$0x1] =	vst.idx.msk $0xffff, v16  }
0x121: {  	v52 =	vadd.s32 s12, v6;
	[tilespmem:v8+s24+$0x70 ss:$0x1] =	vst.idx.msk $0xffff, v9  }
0x122: {  	v53 =	vadd.s32 s12, v4;
	v9 =	vld.idx.msk [tilespmem:v48+s28+$0x0], $0xffff  }
0x123: {  	v54 =	vadd.s32 s12, v5;
	v12 =	vld.idx.msk [tilespmem:v49+s28+$0x0], $0xffff  }
0x124: {  	v55 =	vadd.s32 s12, v7;
	v10 =	vld.idx.msk [tilespmem:v50+s28+$0x0], $0xffff  }
0x125: {  	v13 =	vld.idx.msk [tilespmem:v51+s28+$0x0], $0xffff  }
0x126: {  	v14 =	vld.idx.msk [tilespmem:v52+s28+$0x0], $0xffff  }
0x127: {  	v11 =	vld.idx.msk [tilespmem:v53+s28+$0x0], $0xffff  }
0x128: {  	s1 =	sadd.s32 $0x100, s23;
	v15 =	vld.idx.msk [tilespmem:v54+s28+$0x0], $0xffff  }
0x129: {  	v16 =	vld.idx.msk [tilespmem:v55+s28+$0x0], $0xffff;
	[tilespmem:v8+s1+$0xFFFFFF80 ss:$0x1] =	vst.idx.msk $0xffff, v10  }
0x12a: {  	[tilespmem:v8+s1+$0xFFFFFF90 ss:$0x1] =	vst.idx.msk $0xffff, v12  }
0x12b: {  	s23 =	sadd.s32 $0x1, s12;
	[tilespmem:v8+s1+$0xFFFFFFA0 ss:$0x1] =	vst.idx.msk $0xffff, v13  }
0x12c: {  	v56 =	vadd.s32 s23, v0;
	[tilespmem:v8+s1+$0xFFFFFFB0 ss:$0x1] =	vst.idx.msk $0xffff, v9  }
0x12d: {  	v57 =	vadd.s32 s23, v4;
	[tilespmem:v8+s1+$0xFFFFFFC0 ss:$0x1] =	vst.idx.msk $0xffff, v11  }
0x12e: {  	v58 =	vadd.s32 s23, v7;
	[tilespmem:v8+s1+$0xFFFFFFD0 ss:$0x1] =	vst.idx.msk $0xffff, v15  }
0x12f: {  	v59 =	vadd.s32 s23, v1;
	[tilespmem:v8+s1+$0xFFFFFFE0 ss:$0x1] =	vst.idx.msk $0xffff, v14  }
0x130: {  	v60 =	vadd.s32 s23, v2;
	[tilespmem:v8+s1+$0xFFFFFFF0 ss:$0x1] =	vst.idx.msk $0xffff, v16  }
0x131: {  	v61 =	vadd.s32 s23, v3;
	v9 =	vld.idx.msk [tilespmem:v56+s28+$0x0], $0xffff  }
0x132: {  	v62 =	vadd.s32 s23, v6;
	v10 =	vld.idx.msk [tilespmem:v57+s28+$0x0], $0xffff  }
0x133: {  	v63 =	vadd.s32 s23, v5;
	v11 =	vld.idx.msk [tilespmem:v58+s28+$0x0], $0xffff  }
0x134: {  	v12 =	vld.idx.msk [tilespmem:v59+s28+$0x0], $0xffff  }
0x135: {  	v13 =	vld.idx.msk [tilespmem:v60+s28+$0x0], $0xffff  }
0x136: {  	v14 =	vld.idx.msk [tilespmem:v61+s28+$0x0], $0xffff  }
0x137: {  	v15 =	vld.idx.msk [tilespmem:v62+s28+$0x0], $0xffff  }
0x138: {  	v16 =	vld.idx.msk [tilespmem:v63+s28+$0x0], $0xffff;
	[tilespmem:v8+s1+$0x0 ss:$0x1] =	vst.idx.msk $0xffff, v9  }
0x139: {  	[tilespmem:v8+s1+$0x10 ss:$0x1] =	vst.idx.msk $0xffff, v12  }
0x13a: {  	[tilespmem:v8+s1+$0x20 ss:$0x1] =	vst.idx.msk $0xffff, v13  }
0x13b: {  	[tilespmem:v8+s1+$0x30 ss:$0x1] =	vst.idx.msk $0xffff, v14  }
0x13c: {  	s9 =	sshll.u32 s9, $0x7;
	[tilespmem:v8+s1+$0x40 ss:$0x1] =	vst.idx.msk $0xffff, v10  }
0x13d: {  	s10 =	sshll.u32 s10, $0xD;
	s9 =	sand.u32 $0x380, s9;
	[tilespmem:v8+s1+$0x50 ss:$0x1] =	vst.idx.msk $0xffff, v16  }
0x13e: {  	s9 =	sor.u32 s9, s10;
	[tilespmem:v8+s1+$0x60 ss:$0x1] =	vst.idx.msk $0xffff, v15  }
0x13f: {  	s24 =	sadd.s32 s2, s9;
	[tilespmem:v8+s1+$0x70 ss:$0x1] =	vst.idx.msk $0xffff, v11;
	s1 =	sadd.s32 $0x6, s8  }
0x140: {  	[hbm4b:s24+s3] =	stream.linear.scatter [tilespmem:s20], [sflag:s1], $0x400, $0x38;
	[tilespmem:$0x1A280] =	vst v63  }
0x141: {  	s30 =	sadd.s32 $0x10480, s11;
	s29 =	sadd.s32 s9, s13  }
0x142: {  	[hbm4b:s29+s3] =	stream.linear.scatter [tilespmem:s30], [sflag:s1], $0x400, $0x38;
	[tilespmem:$0x1A280] =	vst v63  }
0x143: {  	s12 =	sadd.s32 s9, s14;
	s20 =	sadd.s32 $0x10880, s11  }
0x144: {  	[hbm4b:s12+s3] =	stream.linear.scatter [tilespmem:s20], [sflag:s1], $0x400, $0x38;
	[tilespmem:$0x1A280] =	vst v63  }
0x145: {  	s23 =	sadd.s32 s9, s15;
	s24 =	sadd.s32 $0x10C80, s11  }
0x146: {  	[hbm4b:s23+s3] =	stream.linear.scatter [tilespmem:s24], [sflag:s1], $0x400, $0x38;
	[tilespmem:$0x1A280] =	vst v63  }
0x147: {  	s26 =	sadd.s32 $0x1, s26;
	s29 =	sadd.s32 s9, s16;
	s30 =	sadd.s32 $0x11080, s11  }
0x148: {  	[hbm4b:s29+s3] =	stream.linear.scatter [tilespmem:s30], [sflag:s1], $0x400, $0x38;
	[tilespmem:$0x1A280] =	vst v63  }
0x149: {  	p0 =	sne.s32 s26, $0x32;
	s12 =	sadd.s32 s9, s17;
	s20 =	sadd.s32 $0x11480, s11  }
0x14a: {  	[hbm4b:s12+s3] =	stream.linear.scatter [tilespmem:s20], [sflag:s1], $0x400, $0x38;
	[tilespmem:$0x1A280] =	vst v63  }
.Ltmp2:
0x14b: {  	_ = 	snop;
	(pc) =	sbr.rel @p0 .LBB2_2-.Ltmp2, $4  }
0x14c: {  	s31 =	sadd.s32 $0x2000, s31;
	s23 =	sadd.s32 s9, s18;
	s24 =	sadd.s32 $0x11880, s11  }
0x14d: {  	[hbm4b:s23+s3] =	stream.linear.scatter [tilespmem:s24], [sflag:s1], $0x400, $0x38;
	[tilespmem:$0x1A280] =	vst v63  }
0x14e: {  	s25 =	sadd.s32 $0x2000, s25;
	s29 =	sadd.s32 s9, s19;
	s30 =	sadd.s32 $0x11C80, s11  }
0x14f: {  	[hbm4b:s29+s3] =	stream.linear.scatter [tilespmem:s30], [sflag:s1], $0x400, $0x38;
	[tilespmem:$0x1A280] =	vst v63  }
0x150: {  	s1 =	simm.s32 $0x6  }
0x151: {  	_ =	swait.ge [sflag:s1], $0x2000  }
0x152: {  	[sflag:s1] =	ssyncset.done $0x0  }
0x153: {  	s26 =	simm.s32 $0x7;
	[sflag:s1] =	ssyncadd.s32 $0xFFFFE000  }
0x154: {  	_ =	swait.ge [sflag:s26], $0x2000  }
0x155: {  	[sflag:s26] =	ssyncset.done $0x0  }
0x156: {  	s29 =	simm.s32 $0x8;
	[sflag:s26] =	ssyncadd.s32 $0xFFFFE000  }
0x157: {  	_ =	swait.ge [sflag:s29], $0x2000  }
0x158: {  	[sflag:s29] =	ssyncset.done $0x0  }
0x159: {  	s30 =	simm.s32 $0x9;
	[sflag:s29] =	ssyncadd.s32 $0xFFFFE000  }
0x15a: {  	_ =	swait.ge [sflag:s30], $0x2000  }
0x15b: {  	[sflag:s30] =	ssyncset.done $0x0  }
0x15c: {  	[sflag:s30] =	ssyncadd.s32 $0xFFFFE000  }
0x15d: {  	_ =	swait.ge [sflag:s0], $0x2000  }
0x15e: {  	s22 =	sadd.s32 $0x1, s22;
	s31 =	rddreg [dreg:$0x9]  }
0x15f: {  	p0 =	sne.s32 s22, s31  }
.Ltmp3:
0x160: {  	_ = 	snop;
	(pc) =	sbr.rel @p0 .LBB2_1-.Ltmp3, $3  }
0x161: {  	_ =	sdelay $0x1  }
0x162: {  	[sflag:s0] =	ssyncset.done $0x0  }
0x163: {  	[sflag:s0] =	ssyncadd.s32 $0xFFFFE000  }
0x164: {  	_ =	sfence.sel $0x180000  }
0x165: {  	[bflag:$0x0] =	sbarrier.arrive $0xFFFF  }
0x166: {  	_ =	strace $0x90000047  }
0x167: {  	s0 =	stileid.u32;
	[bflag:$0x2] =	sbarrier.arrive $0xFFFF  }
0x168: {  	p0 =	sne.s32 s0, $0x0;
	s0 =	rddreg [dreg:$0x3]  }
0x169: {  	s0 =	sadd.s32 @!p0 $0x100000, s0  }
0x16a: {  	[sflag:s0] =	ssyncadd.tile.s32 @!p0 $0x1;
	_ =	shalt  }
.Lfunc_end2:
_tile_overlayer_lowered:
.L_overlay_start_2:
0x16b: {  	(tag) =	ssettag $0x2  }
0x16c: {  	s0 =	rddreg [dreg:$0x0];
	s2 =	stileid.u32  }
0x16d: {  	s1 =	rddreg [dreg:$0x1];
	p0 =	sne.s32 s2, $0x0  }
0x16e: {  	s3 =	rddreg [dreg:$0x2];
	[bflag:$0x3] =	sbarrier.arrive $0xFFFF;
	s2 =	simm.s32 @!p0 $0x1C0B  }
0x16f: {  	[timem:s3], [sflag:s2] =	dma.local @!p0 [hbm:s0], s1  }
0x170: {  	s0 =	simm.s32 @!p0 $0xB  }
0x171: {  	_ =	swait.ge @!p0 [sflag:s0], s1  }
0x172: {  	s1 =	ssub.s32 @!p0 $0x0, s1;
	[sflag:s0] =	ssyncset.done @!p0 $0x0  }
0x173: {  	[sflag:s0] =	ssyncadd.s32 @!p0 s1  }
0x174: {  	[bflag:$0x3] =	sbarrier.arrive $0xFFFF  }
0x175: {  	_ =	shalt  }

</sc_bundles>
